<compile_context>
chip_gen: v7x
topology: tpu7x:2x2x1
jax: 0.10.2.dev20260603
libtpu: 0.0.44.dev20260713+nightly
codegen_flags: <defaults>
</compile_context>

<pallas_src>
import functools

import jax
import jax.numpy as jnp
import numpy as np
from jax import lax
from jax.experimental import pallas as pl
from jax.experimental.pallas import tpu as pltpu
from jax.experimental.pallas import tpu_sc as plsc

_B = 1024
_NREL = 1000
_NRELP = 1024
_DREL = 512
_DSTATE = 1024
_DHID = 2048
_MAXOUT = 50

_NC = 2
_NS = 16
_NW = _NC * _NS

_NT = (((1,), (1,)), ((), ()))


with jax.default_device(jax.devices("cpu")[0]):
    _NOISE = np.asarray(jax.random.gumbel(jax.random.key(123),
                                          (_B, _MAXOUT), jnp.float32))


def _wid():
    return lax.axis_index("s") * _NC + lax.axis_index("c")


def _sig(x):
    return 0.5 * jnp.tanh(0.5 * x) + 0.5


_NN = (((1,), (0,)), ((), ()))


_TN = (((0,), (0,)), ((), ()))


def _dense_body(prev, quer, h0, c0, wih, whh, bg, bg2, w1, b1r, w2, b2, rel,
                h1_out, c1_out, scores_out, s_i, s_f, emb_s, macc, relp):
    step = pl.program_id(0)

    @pl.when(step == 0)
    def _emb_pa():
        oht = (lax.broadcasted_iota(jnp.int32, (_NREL, _B), 0)
               == prev[:][None, :]).astype(jnp.float32)
        emb_s[:] = lax.dot_general(oht, rel[:], _TN,
                                   preferred_element_type=jnp.float32)
        relp[0:_NREL, :] = rel[:]
        relp[_NREL:_NRELP, :] = jnp.zeros((_NRELP - _NREL, _DREL), jnp.float32)

    _H = _DSTATE // 2

    @pl.when(step < 8)
    def _lstm_phase():
        gc = (lax.dot_general(emb_s[:], wih[:], _NT,
                              preferred_element_type=jnp.float32)
              + lax.dot_general(h0[:], whh[:], _NT,
                                preferred_element_type=jnp.float32)
              + (bg[0] + bg2[0]))

        @pl.when(step == 0)
        def _():
            s_i[:, :_H] = _sig(gc)

        @pl.when(step == 1)
        def _():
            s_i[:, _H:] = _sig(gc)

        @pl.when(step == 2)
        def _():
            s_f[:, :_H] = _sig(gc)

        @pl.when(step == 3)
        def _():
            s_f[:, _H:] = _sig(gc)

        @pl.when(step == 4)
        def _():
            s_i[:, :_H] = s_i[:, :_H] * jnp.tanh(gc)

        @pl.when(step == 5)
        def _():
            s_i[:, _H:] = s_i[:, _H:] * jnp.tanh(gc)

        @pl.when(step == 6)
        def _():
            o = _sig(gc)
            c1 = s_f[:, :_H] * c0[:] + s_i[:, :_H]
            h1_out[:, :_H] = o * jnp.tanh(c1)
            c1_out[:, :_H] = c1

        @pl.when(step == 7)
        def _():
            o = _sig(gc)
            c1 = s_f[:, _H:] * c0[:] + s_i[:, _H:]
            h1_out[:, _H:] = o * jnp.tanh(c1)
            c1_out[:, _H:] = c1

    @pl.when(step == 8)
    def _emb_qe():
        oht = (lax.broadcasted_iota(jnp.int32, (_NREL, _B), 0)
               == quer[:][None, :]).astype(jnp.float32)
        emb_s[:] = lax.dot_general(oht, rel[:], _TN,
                                   preferred_element_type=jnp.float32)

    @pl.when((step >= 8) & (step < 12))
    def _mlp_phase():
        hidden_c = jax.nn.relu(
            lax.dot_general(h1_out[:], w1[:, :_DSTATE], _NT,
                            preferred_element_type=jnp.float32)
            + lax.dot_general(emb_s[:], w1[:, _DSTATE:], _NT,
                              preferred_element_type=jnp.float32)
            + b1r[0])
        part = lax.dot_general(hidden_c, w2[:], _NT,
                               preferred_element_type=jnp.float32)

        @pl.when(step == 8)
        def _():
            macc[:] = part

        @pl.when(step > 8)
        def _():
            macc[:] = macc[:] + part

    @pl.when(step == 12)
    def _scores_phase():
        mlp = jax.nn.relu(macc[:] + b2[:])
        sc = lax.dot_general(mlp, relp[:], _NT,
                             preferred_element_type=jnp.float32)
        scores_out[:] = sc.reshape(_B, 8, 128)


def _dense(prev, quer, h0, c0, w_ih, w_hh, bg, bg2, w1, b1r, w2, b2,
           rel_table):
    full2 = lambda i: (0, 0)
    _C = _DHID // 4
    _H = _DSTATE // 2
    return pl.pallas_call(
        _dense_body,
        grid=(13,),
        in_specs=[
            pl.BlockSpec((_B,), lambda i: (0,)),
            pl.BlockSpec((_B,), lambda i: (0,)),
            pl.BlockSpec((_B, _DSTATE), full2),
            pl.BlockSpec((_B, _H),
                         lambda i: (0, jnp.clip(i - 6, 0, 1))),
            pl.BlockSpec((_H, _DREL),
                         lambda i: (jnp.minimum(i, 7), 0)),
            pl.BlockSpec((_H, _DSTATE),
                         lambda i: (jnp.minimum(i, 7), 0)),
            pl.BlockSpec((1, 1, _H),
                         lambda i: (jnp.minimum(i, 7), 0, 0)),
            pl.BlockSpec((1, 1, _H),
                         lambda i: (jnp.minimum(i, 7), 0, 0)),
            pl.BlockSpec((_C, _DSTATE + _DREL),
                         lambda i: (jnp.clip(i - 8, 0, 3), 0)),
            pl.BlockSpec((1, 1, _C),
                         lambda i: (jnp.clip(i - 8, 0, 3), 0, 0)),
            pl.BlockSpec((_DREL, _C),
                         lambda i: (0, jnp.clip(i - 8, 0, 3))),
            pl.BlockSpec((1, _DREL), full2),
            pl.BlockSpec((_NREL, _DREL), full2),
        ],
        out_specs=[
            pl.BlockSpec((_B, _DSTATE), full2),
            pl.BlockSpec((_B, _DSTATE), full2),
            pl.BlockSpec((_B, 8, 128), lambda i: (0, 0, 0)),
        ],
        out_shape=[
            jax.ShapeDtypeStruct((_B, _DSTATE), jnp.float32),
            jax.ShapeDtypeStruct((_B, _DSTATE), jnp.float32),
            jax.ShapeDtypeStruct((_B, 8, 128), jnp.float32),
        ],
        scratch_shapes=[
            pltpu.VMEM((_B, _DSTATE), jnp.float32),
            pltpu.VMEM((_B, _DSTATE), jnp.float32),
            pltpu.VMEM((_B, _DREL), jnp.float32),
            pltpu.VMEM((_B, _DREL), jnp.float32),
            pltpu.VMEM((_NRELP, _DREL), jnp.float32),
        ],
        compiler_params=pltpu.CompilerParams(
            dimension_semantics=("arbitrary",),
            vmem_limit_bytes=110 * 1024 * 1024,
        ),
    )(prev, quer, h0, c0, w_ih, w_hh, bg, bg2, w1, b1r, w2, b2, rel_table)


_GI_PER = _B * _MAXOUT // _NW
_GI_CHUNK = 128
_GI_CHUNKS = [(o, min(_GI_CHUNK, _GI_PER - o))
              for o in range(0, _GI_PER, _GI_CHUNK)]


def _score_gather_body(scores_hbm, ids_hbm, out_hbm, idx_v, vals_v, sem):
    base = _wid() * _GI_PER
    pltpu.sync_copy(ids_hbm.at[pl.ds(base, _GI_PER)], idx_v)
    copies = []
    for off, sz in _GI_CHUNKS:
        copies.append(pltpu.async_copy(
            scores_hbm.at[idx_v.at[pl.ds(off, sz)]],
            vals_v.at[pl.ds(off, sz)], sem))
    for cp in copies:
        cp.wait()
    pltpu.sync_copy(vals_v, out_hbm.at[pl.ds(base, _GI_PER)])


@functools.cache
def _score_gather_kernel():
    return pl.kernel(
        _score_gather_body,
        out_type=jax.ShapeDtypeStruct((_B * _MAXOUT,), jnp.float32),
        mesh=plsc.VectorSubcoreMesh(core_axis_name="c", subcore_axis_name="s",
                                    num_cores=_NC, num_subcores=_NS),
        scratch_types=[
            pltpu.VMEM((_GI_PER,), jnp.int32),
            pltpu.VMEM((_GI_PER,), jnp.float32),
            pltpu.SemaphoreType.DMA,
        ],
    )


def _score_gather(flat_scores, flat_ids):
    return _score_gather_kernel()(flat_scores, flat_ids)


def _sample_body(sv, ids, ents, nz, loss_o, aid_o, logits_o, next_o, chosen_o):
    ids_v = ids[:]
    scores = jnp.where(ids_v == 0, -99999.0, sv[:])
    z = scores + nz[:]
    zmax = jnp.max(z, axis=1, keepdims=True)
    col = lax.broadcasted_iota(jnp.int32, (_B, _MAXOUT), 1)
    aid = jnp.min(jnp.where(z == zmax, col, _MAXOUT), axis=1, keepdims=True)
    smax = jnp.max(scores, axis=1, keepdims=True)
    lse = smax + jnp.log(jnp.sum(jnp.exp(scores - smax), axis=1, keepdims=True))
    logits = scores - lse
    onehot = col == aid
    loss_o[:] = -jnp.sum(jnp.where(onehot, logits, 0.0), axis=1)
    aid_o[:] = aid[:, 0]
    logits_o[:] = logits
    next_o[:] = jnp.sum(jnp.where(onehot, ents[:], 0), axis=1)
    chosen_o[:] = jnp.sum(jnp.where(onehot, ids_v, 0), axis=1)


def _sample(sv, ids, ents, nz):
    return pl.pallas_call(
        _sample_body,
        out_shape=[
            jax.ShapeDtypeStruct((_B,), jnp.float32),
            jax.ShapeDtypeStruct((_B,), jnp.int32),
            jax.ShapeDtypeStruct((_B, _MAXOUT), jnp.float32),
            jax.ShapeDtypeStruct((_B,), jnp.int32),
            jax.ShapeDtypeStruct((_B,), jnp.int32),
        ],
    )(sv, ids, ents, nz)


def kernel(h0, c0, prev_relation, current_entities, queries, out_relations_id,
           out_entities_id, rel_table, W_ih, W_hh, b_ih, b_hh, W1, b1, W2, b2):
    del current_entities
    bg = b_ih.reshape(8, 1, _DSTATE // 2)
    bg2 = b_hh.reshape(8, 1, _DSTATE // 2)
    b1r = b1.reshape(4, 1, _DHID // 4)
    h1, c1, all_scores = _dense(prev_relation, queries, h0, c0, W_ih, W_hh,
                                bg, bg2, W1, b1r, W2, b2.reshape(1, -1),
                                rel_table)
    flat_ids = (out_relations_id.reshape(-1)
                + jnp.repeat(jnp.arange(_B, dtype=jnp.int32) * _NRELP,
                             _MAXOUT))
    sv = _score_gather(all_scores.reshape(-1),
                       flat_ids).reshape(_B, _MAXOUT)
    noise = jnp.asarray(_NOISE)
    loss, aid, logits, nexte, chosen = _sample(
        sv, out_relations_id, out_entities_id, noise)
    return (loss, h1, c1, logits, aid, nexte, chosen)

# --- scband reference (transcript-rebuilt; emitter-appended) ---
"""Pipeline reference for scband-agent-76175539961875 (READ-ONLY COPY).

The authoritative reference and input builder live on the scoring server;
editing this copy changes nothing except your own understanding.
"""

import jax, jax.numpy as jnp
import numpy as np

B = 1024
NUM_REL = 1000
NUM_ENT = 100000
D_REL = 512
D_STATE = 1024
D_HID = 2048
MAX_OUT = 50
PAD_ID = 0


def setup_inputs(seed: int = 0) -> dict:
    key = jax.random.key(seed)
    ks = jax.random.split(key, 16)

    def xavier(k, shape):
        lim = np.sqrt(6.0 / (shape[0] + shape[1]))
        return jax.random.uniform(k, shape, jnp.float32, -lim, lim)

    inp = {
        'h0': jax.random.normal(ks[0], (B, D_STATE), jnp.float32),
        'c0': jax.random.normal(ks[1], (B, D_STATE), jnp.float32),
        'prev_relation': jax.random.randint(ks[2], (B,), 0, NUM_REL),
        'current_entities': jax.random.randint(ks[3], (B,), 0, NUM_ENT),
        'queries': jax.random.randint(ks[4], (B,), 0, NUM_REL),
        'out_relations_id': jax.random.randint(ks[5], (B, MAX_OUT), 0, NUM_REL),
        'out_entities_id': jax.random.randint(ks[6], (B, MAX_OUT), 0, NUM_ENT),
        # learned parameters
        'rel_table': xavier(ks[7], (NUM_REL, D_REL)),
        'W_ih': jax.random.normal(ks[8], (4 * D_STATE, D_REL), jnp.float32) * 0.02,
        'W_hh': jax.random.normal(ks[9], (4 * D_STATE, D_STATE), jnp.float32) * 0.02,
        'b_ih': jnp.zeros((4 * D_STATE,), jnp.float32),
        'b_hh': jnp.zeros((4 * D_STATE,), jnp.float32),
        'W1': jax.random.normal(ks[10], (D_HID, D_STATE + D_REL), jnp.float32) * 0.02,
        'b1': jnp.zeros((D_HID,), jnp.float32),
        'W2': jax.random.normal(ks[11], (D_REL, D_HID), jnp.float32) * 0.02,
        'b2': jnp.zeros((D_REL,), jnp.float32),
    }
    return inp


def reference(h0, c0, prev_relation, current_entities, queries, out_relations_id,
              out_entities_id, rel_table, W_ih, W_hh, b_ih, b_hh, W1, b1, W2, b2):
    # prev action embedding (use_entity_embed = False path)
    prev_action = jnp.take(rel_table, prev_relation, axis=0)

    # Policy_step: LSTMCell (PyTorch gate order i, f, g, o)
    gates = prev_action @ W_ih.T + b_ih + h0 @ W_hh.T + b_hh
    i, f, g, o = jnp.split(gates, 4, axis=-1)
    i = jax.nn.sigmoid(i)
    f = jax.nn.sigmoid(f)
    g = jnp.tanh(g)
    o = jax.nn.sigmoid(o)
    c1 = f * c0 + i * g
    h1 = o * jnp.tanh(c1)

    # candidate actions (graph.get_out output provided as inputs)
    out_relations = jnp.take(rel_table, out_relations_id, axis=0)  # [B, MAX_OUT, D_REL]
    action = out_relations
    state = h1

    queries_embedding = jnp.take(rel_table, queries, axis=0)
    state_query = jnp.concatenate([state, queries_embedding], axis=-1)

    # Policy_mlp
    hidden = jax.nn.relu(state_query @ W1.T + b1)
    mlp_out = jax.nn.relu(hidden @ W2.T + b2)[:, None, :]  # unsqueeze(1)

    prelim_scores = jnp.sum(mlp_out * action, axis=-1)  # [B, MAX_OUT]
    mask = out_relations_id == PAD_ID
    scores = jnp.where(mask, jnp.full_like(prelim_scores, -99999.0), prelim_scores)

    # torch.multinomial(softmax(scores), 1)  ->  categorical over scores
    action_id = jax.random.categorical(jax.random.key(123), scores, axis=1)  # [B]

    chosen_relation = jnp.take_along_axis(out_relations_id, action_id[:, None], axis=1).squeeze(1)
    next_entities = jnp.take_along_axis(out_entities_id, action_id[:, None], axis=1).squeeze(1)

    logits = jax.nn.log_softmax(scores, axis=1)
    one_hot = jax.nn.one_hot(action_id, MAX_OUT, dtype=logits.dtype)
    loss = -jnp.sum(logits * one_hot, axis=1)

    return (loss, h1, c1, logits, action_id, next_entities, chosen_relation)

if __name__ == "__main__":
    import jax
    _d = setup_inputs()
    print(jax.jit(kernel)(*tuple(_d.values())))

</pallas_src>

<mosaic_0001>
#map = affine_map<(d0, d1) -> (0)>
module attributes {stable_mosaic.version = 14 : i64} {
  func.func @_score_gather_body(%arg0: i32, %arg1: i32, %arg2: memref<1048576xf32, #tpu.memory_space<hbm>>, %arg3: memref<51200xi32, #tpu.memory_space<hbm>>, %arg4: memref<51200xf32, #tpu.memory_space<hbm>>, %arg5: memref<1600xi32, #tpu.memory_space<vmem>>, %arg6: memref<1600xf32, #tpu.memory_space<vmem>>, %arg7: memref<!tpu.dma_semaphore, #tpu.memory_space<semaphore_mem>>) attributes {dimension_semantics = [#tpu.dimension_semantics<core_parallel>, #tpu.dimension_semantics<subcore_parallel>], iteration_bounds = array<i64: 2, 16>, scalar_prefetch = 0 : i64, scratch_operands = 3 : i64, tpu.core_type = #tpu.core_type<sc_vector_subcore>, window_params = [{transform_indices = #map}, {transform_indices = #map}, {transform_indices = #map}]} {
    %mul3A = arith.constant 2 : i32
    %mul3A_0 = arith.muli %arg1, %mul3A : i32
    %add3A = arith.addi %mul3A_0, %arg0 : i32
    %mul3A_1 = arith.constant 1600 : i32
    %mul3A_2 = arith.muli %add3A, %mul3A_1 : i32
    "tpu.region"() ({
      %run_scoped3A = tpu.sem_alloc : memref<!tpu.dma_semaphore, #tpu.memory_space<semaphore_mem>>
      %dma_start3A_157 = tpu.memref_slice %arg3[%mul3A_2] : memref<51200xi32, #tpu.memory_space<hbm>> -> memref<1600xi32, #tpu.memory_space<hbm>>
      %dma_start3A_158 = tpu.memref_slice %arg3[%mul3A_2] : memref<51200xi32, #tpu.memory_space<hbm>> -> memref<1600xi32, #tpu.memory_space<hbm>>
      tpu.enqueue_dma source(%dma_start3A_158 : memref<1600xi32, #tpu.memory_space<hbm>>) target(%arg5 : memref<1600xi32, #tpu.memory_space<vmem>>) target_semaphore(%run_scoped3A : memref<!tpu.dma_semaphore, #tpu.memory_space<semaphore_mem>>)
      %dma_wait3A_159 = tpu.memref_slice %arg3[%mul3A_2] : memref<51200xi32, #tpu.memory_space<hbm>> -> memref<1600xi32, #tpu.memory_space<hbm>>
      %dma_wait3A_160 = tpu.memref_slice %arg3[%mul3A_2] : memref<51200xi32, #tpu.memory_space<hbm>> -> memref<1600xi32, #tpu.memory_space<hbm>>
      tpu.wait_dma2 semaphore(%run_scoped3A : memref<!tpu.dma_semaphore, #tpu.memory_space<semaphore_mem>>) src(%dma_wait3A_160 : memref<1600xi32, #tpu.memory_space<hbm>>) dst(%arg5 : memref<1600xi32, #tpu.memory_space<vmem>>)
      tpu.yield
    }) : () -> ()
    %dma_start3A = arith.constant 0 : i32
    %dma_start3A_3 = tpu.memref_slice %arg6[%dma_start3A] : memref<1600xf32, #tpu.memory_space<vmem>> -> memref<128xf32, #tpu.memory_space<vmem>>
    %dma_start3A_4 = arith.constant 0 : i32
    %dma_start3A_5 = tpu.memref_slice %arg5[%dma_start3A_4] : memref<1600xi32, #tpu.memory_space<vmem>> -> memref<128xi32, #tpu.memory_space<vmem>>
    %dma_start3A_6 = arith.constant 0 : i32
    %dma_start3A_7 = tpu.memref_slice %arg2[%dma_start3A_6] : memref<1048576xf32, #tpu.memory_space<hbm>> -> memref<1048576xf32, #tpu.memory_space<hbm>>
    tpu.enqueue_indirect_dma source(%dma_start3A_7 : memref<1048576xf32, #tpu.memory_space<hbm>>) target(%dma_start3A_3 : memref<128xf32, #tpu.memory_space<vmem>>) offsets(%dma_start3A_5 : memref<128xi32, #tpu.memory_space<vmem>>) semaphore(%arg7 : memref<!tpu.dma_semaphore, #tpu.memory_space<semaphore_mem>>)
    %dma_start3A_8 = arith.constant 128 : i32
    %dma_start3A_9 = tpu.memref_slice %arg6[%dma_start3A_8] : memref<1600xf32, #tpu.memory_space<vmem>> -> memref<128xf32, #tpu.memory_space<vmem>>
    %dma_start3A_10 = arith.constant 128 : i32
    %dma_start3A_11 = tpu.memref_slice %arg5[%dma_start3A_10] : memref<1600xi32, #tpu.memory_space<vmem>> -> memref<128xi32, #tpu.memory_space<vmem>>
    %dma_start3A_12 = arith.constant 0 : i32
    %dma_start3A_13 = tpu.memref_slice %arg2[%dma_start3A_12] : memref<1048576xf32, #tpu.memory_space<hbm>> -> memref<1048576xf32, #tpu.memory_space<hbm>>
    tpu.enqueue_indirect_dma source(%dma_start3A_13 : memref<1048576xf32, #tpu.memory_space<hbm>>) target(%dma_start3A_9 : memref<128xf32, #tpu.memory_space<vmem>>) offsets(%dma_start3A_11 : memref<128xi32, #tpu.memory_space<vmem>>) semaphore(%arg7 : memref<!tpu.dma_semaphore, #tpu.memory_space<semaphore_mem>>)
    %dma_start3A_14 = arith.constant 256 : i32
    %dma_start3A_15 = tpu.memref_slice %arg6[%dma_start3A_14] : memref<1600xf32, #tpu.memory_space<vmem>> -> memref<128xf32, #tpu.memory_space<vmem>>
    %dma_start3A_16 = arith.constant 256 : i32
    %dma_start3A_17 = tpu.memref_slice %arg5[%dma_start3A_16] : memref<1600xi32, #tpu.memory_space<vmem>> -> memref<128xi32, #tpu.memory_space<vmem>>
    %dma_start3A_18 = arith.constant 0 : i32
    %dma_start3A_19 = tpu.memref_slice %arg2[%dma_start3A_18] : memref<1048576xf32, #tpu.memory_space<hbm>> -> memref<1048576xf32, #tpu.memory_space<hbm>>
    tpu.enqueue_indirect_dma source(%dma_start3A_19 : memref<1048576xf32, #tpu.memory_space<hbm>>) target(%dma_start3A_15 : memref<128xf32, #tpu.memory_space<vmem>>) offsets(%dma_start3A_17 : memref<128xi32, #tpu.memory_space<vmem>>) semaphore(%arg7 : memref<!tpu.dma_semaphore, #tpu.memory_space<semaphore_mem>>)
    %dma_start3A_20 = arith.constant 384 : i32
    %dma_start3A_21 = tpu.memref_slice %arg6[%dma_start3A_20] : memref<1600xf32, #tpu.memory_space<vmem>> -> memref<128xf32, #tpu.memory_space<vmem>>
    %dma_start3A_22 = arith.constant 384 : i32
    %dma_start3A_23 = tpu.memref_slice %arg5[%dma_start3A_22] : memref<1600xi32, #tpu.memory_space<vmem>> -> memref<128xi32, #tpu.memory_space<vmem>>
    %dma_start3A_24 = arith.constant 0 : i32
    %dma_start3A_25 = tpu.memref_slice %arg2[%dma_start3A_24] : memref<1048576xf32, #tpu.memory_space<hbm>> -> memref<1048576xf32, #tpu.memory_space<hbm>>
    tpu.enqueue_indirect_dma source(%dma_start3A_25 : memref<1048576xf32, #tpu.memory_space<hbm>>) target(%dma_start3A_21 : memref<128xf32, #tpu.memory_space<vmem>>) offsets(%dma_start3A_23 : memref<128xi32, #tpu.memory_space<vmem>>) semaphore(%arg7 : memref<!tpu.dma_semaphore, #tpu.memory_space<semaphore_mem>>)
    %dma_start3A_26 = arith.constant 512 : i32
    %dma_start3A_27 = tpu.memref_slice %arg6[%dma_start3A_26] : memref<1600xf32, #tpu.memory_space<vmem>> -> memref<128xf32, #tpu.memory_space<vmem>>
    %dma_start3A_28 = arith.constant 512 : i32
    %dma_start3A_29 = tpu.memref_slice %arg5[%dma_start3A_28] : memref<1600xi32, #tpu.memory_space<vmem>> -> memref<128xi32, #tpu.memory_space<vmem>>
    %dma_start3A_30 = arith.constant 0 : i32
    %dma_start3A_31 = tpu.memref_slice %arg2[%dma_start3A_30] : memref<1048576xf32, #tpu.memory_space<hbm>> -> memref<1048576xf32, #tpu.memory_space<hbm>>
    tpu.enqueue_indirect_dma source(%dma_start3A_31 : memref<1048576xf32, #tpu.memory_space<hbm>>) target(%dma_start3A_27 : memref<128xf32, #tpu.memory_space<vmem>>) offsets(%dma_start3A_29 : memref<128xi32, #tpu.memory_space<vmem>>) semaphore(%arg7 : memref<!tpu.dma_semaphore, #tpu.memory_space<semaphore_mem>>)
    %dma_start3A_32 = arith.constant 640 : i32
    %dma_start3A_33 = tpu.memref_slice %arg6[%dma_start3A_32] : memref<1600xf32, #tpu.memory_space<vmem>> -> memref<128xf32, #tpu.memory_space<vmem>>
    %dma_start3A_34 = arith.constant 640 : i32
    %dma_start3A_35 = tpu.memref_slice %arg5[%dma_start3A_34] : memref<1600xi32, #tpu.memory_space<vmem>> -> memref<128xi32, #tpu.memory_space<vmem>>
    %dma_start3A_36 = arith.constant 0 : i32
    %dma_start3A_37 = tpu.memref_slice %arg2[%dma_start3A_36] : memref<1048576xf32, #tpu.memory_space<hbm>> -> memref<1048576xf32, #tpu.memory_space<hbm>>
    tpu.enqueue_indirect_dma source(%dma_start3A_37 : memref<1048576xf32, #tpu.memory_space<hbm>>) target(%dma_start3A_33 : memref<128xf32, #tpu.memory_space<vmem>>) offsets(%dma_start3A_35 : memref<128xi32, #tpu.memory_space<vmem>>) semaphore(%arg7 : memref<!tpu.dma_semaphore, #tpu.memory_space<semaphore_mem>>)
    %dma_start3A_38 = arith.constant 768 : i32
    %dma_start3A_39 = tpu.memref_slice %arg6[%dma_start3A_38] : memref<1600xf32, #tpu.memory_space<vmem>> -> memref<128xf32, #tpu.memory_space<vmem>>
    %dma_start3A_40 = arith.constant 768 : i32
    %dma_start3A_41 = tpu.memref_slice %arg5[%dma_start3A_40] : memref<1600xi32, #tpu.memory_space<vmem>> -> memref<128xi32, #tpu.memory_space<vmem>>
    %dma_start3A_42 = arith.constant 0 : i32
    %dma_start3A_43 = tpu.memref_slice %arg2[%dma_start3A_42] : memref<1048576xf32, #tpu.memory_space<hbm>> -> memref<1048576xf32, #tpu.memory_space<hbm>>
    tpu.enqueue_indirect_dma source(%dma_start3A_43 : memref<1048576xf32, #tpu.memory_space<hbm>>) target(%dma_start3A_39 : memref<128xf32, #tpu.memory_space<vmem>>) offsets(%dma_start3A_41 : memref<128xi32, #tpu.memory_space<vmem>>) semaphore(%arg7 : memref<!tpu.dma_semaphore, #tpu.memory_space<semaphore_mem>>)
    %dma_start3A_44 = arith.constant 896 : i32
    %dma_start3A_45 = tpu.memref_slice %arg6[%dma_start3A_44] : memref<1600xf32, #tpu.memory_space<vmem>> -> memref<128xf32, #tpu.memory_space<vmem>>
    %dma_start3A_46 = arith.constant 896 : i32
    %dma_start3A_47 = tpu.memref_slice %arg5[%dma_start3A_46] : memref<1600xi32, #tpu.memory_space<vmem>> -> memref<128xi32, #tpu.memory_space<vmem>>
    %dma_start3A_48 = arith.constant 0 : i32
    %dma_start3A_49 = tpu.memref_slice %arg2[%dma_start3A_48] : memref<1048576xf32, #tpu.memory_space<hbm>> -> memref<1048576xf32, #tpu.memory_space<hbm>>
    tpu.enqueue_indirect_dma source(%dma_start3A_49 : memref<1048576xf32, #tpu.memory_space<hbm>>) target(%dma_start3A_45 : memref<128xf32, #tpu.memory_space<vmem>>) offsets(%dma_start3A_47 : memref<128xi32, #tpu.memory_space<vmem>>) semaphore(%arg7 : memref<!tpu.dma_semaphore, #tpu.memory_space<semaphore_mem>>)
    %dma_start3A_50 = arith.constant 1024 : i32
    %dma_start3A_51 = tpu.memref_slice %arg6[%dma_start3A_50] : memref<1600xf32, #tpu.memory_space<vmem>> -> memref<128xf32, #tpu.memory_space<vmem>>
    %dma_start3A_52 = arith.constant 1024 : i32
    %dma_start3A_53 = tpu.memref_slice %arg5[%dma_start3A_52] : memref<1600xi32, #tpu.memory_space<vmem>> -> memref<128xi32, #tpu.memory_space<vmem>>
    %dma_start3A_54 = arith.constant 0 : i32
    %dma_start3A_55 = tpu.memref_slice %arg2[%dma_start3A_54] : memref<1048576xf32, #tpu.memory_space<hbm>> -> memref<1048576xf32, #tpu.memory_space<hbm>>
    tpu.enqueue_indirect_dma source(%dma_start3A_55 : memref<1048576xf32, #tpu.memory_space<hbm>>) target(%dma_start3A_51 : memref<128xf32, #tpu.memory_space<vmem>>) offsets(%dma_start3A_53 : memref<128xi32, #tpu.memory_space<vmem>>) semaphore(%arg7 : memref<!tpu.dma_semaphore, #tpu.memory_space<semaphore_mem>>)
    %dma_start3A_56 = arith.constant 1152 : i32
    %dma_start3A_57 = tpu.memref_slice %arg6[%dma_start3A_56] : memref<1600xf32, #tpu.memory_space<vmem>> -> memref<128xf32, #tpu.memory_space<vmem>>
    %dma_start3A_58 = arith.constant 1152 : i32
    %dma_start3A_59 = tpu.memref_slice %arg5[%dma_start3A_58] : memref<1600xi32, #tpu.memory_space<vmem>> -> memref<128xi32, #tpu.memory_space<vmem>>
    %dma_start3A_60 = arith.constant 0 : i32
    %dma_start3A_61 = tpu.memref_slice %arg2[%dma_start3A_60] : memref<1048576xf32, #tpu.memory_space<hbm>> -> memref<1048576xf32, #tpu.memory_space<hbm>>
    tpu.enqueue_indirect_dma source(%dma_start3A_61 : memref<1048576xf32, #tpu.memory_space<hbm>>) target(%dma_start3A_57 : memref<128xf32, #tpu.memory_space<vmem>>) offsets(%dma_start3A_59 : memref<128xi32, #tpu.memory_space<vmem>>) semaphore(%arg7 : memref<!tpu.dma_semaphore, #tpu.memory_space<semaphore_mem>>)
    %dma_start3A_62 = arith.constant 1280 : i32
    %dma_start3A_63 = tpu.memref_slice %arg6[%dma_start3A_62] : memref<1600xf32, #tpu.memory_space<vmem>> -> memref<128xf32, #tpu.memory_space<vmem>>
    %dma_start3A_64 = arith.constant 1280 : i32
    %dma_start3A_65 = tpu.memref_slice %arg5[%dma_start3A_64] : memref<1600xi32, #tpu.memory_space<vmem>> -> memref<128xi32, #tpu.memory_space<vmem>>
    %dma_start3A_66 = arith.constant 0 : i32
    %dma_start3A_67 = tpu.memref_slice %arg2[%dma_start3A_66] : memref<1048576xf32, #tpu.memory_space<hbm>> -> memref<1048576xf32, #tpu.memory_space<hbm>>
    tpu.enqueue_indirect_dma source(%dma_start3A_67 : memref<1048576xf32, #tpu.memory_space<hbm>>) target(%dma_start3A_63 : memref<128xf32, #tpu.memory_space<vmem>>) offsets(%dma_start3A_65 : memref<128xi32, #tpu.memory_space<vmem>>) semaphore(%arg7 : memref<!tpu.dma_semaphore, #tpu.memory_space<semaphore_mem>>)
    %dma_start3A_68 = arith.constant 1408 : i32
    %dma_start3A_69 = tpu.memref_slice %arg6[%dma_start3A_68] : memref<1600xf32, #tpu.memory_space<vmem>> -> memref<128xf32, #tpu.memory_space<vmem>>
    %dma_start3A_70 = arith.constant 1408 : i32
    %dma_start3A_71 = tpu.memref_slice %arg5[%dma_start3A_70] : memref<1600xi32, #tpu.memory_space<vmem>> -> memref<128xi32, #tpu.memory_space<vmem>>
    %dma_start3A_72 = arith.constant 0 : i32
    %dma_start3A_73 = tpu.memref_slice %arg2[%dma_start3A_72] : memref<1048576xf32, #tpu.memory_space<hbm>> -> memref<1048576xf32, #tpu.memory_space<hbm>>
    tpu.enqueue_indirect_dma source(%dma_start3A_73 : memref<1048576xf32, #tpu.memory_space<hbm>>) target(%dma_start3A_69 : memref<128xf32, #tpu.memory_space<vmem>>) offsets(%dma_start3A_71 : memref<128xi32, #tpu.memory_space<vmem>>) semaphore(%arg7 : memref<!tpu.dma_semaphore, #tpu.memory_space<semaphore_mem>>)
    %dma_start3A_74 = arith.constant 1536 : i32
    %dma_start3A_75 = tpu.memref_slice %arg6[%dma_start3A_74] : memref<1600xf32, #tpu.memory_space<vmem>> -> memref<64xf32, #tpu.memory_space<vmem>>
    %dma_start3A_76 = arith.constant 1536 : i32
    %dma_start3A_77 = tpu.memref_slice %arg5[%dma_start3A_76] : memref<1600xi32, #tpu.memory_space<vmem>> -> memref<64xi32, #tpu.memory_space<vmem>>
    %dma_start3A_78 = arith.constant 0 : i32
    %dma_start3A_79 = tpu.memref_slice %arg2[%dma_start3A_78] : memref<1048576xf32, #tpu.memory_space<hbm>> -> memref<1048576xf32, #tpu.memory_space<hbm>>
    tpu.enqueue_indirect_dma source(%dma_start3A_79 : memref<1048576xf32, #tpu.memory_space<hbm>>) target(%dma_start3A_75 : memref<64xf32, #tpu.memory_space<vmem>>) offsets(%dma_start3A_77 : memref<64xi32, #tpu.memory_space<vmem>>) semaphore(%arg7 : memref<!tpu.dma_semaphore, #tpu.memory_space<semaphore_mem>>)
    %dma_wait3A = arith.constant 0 : i32
    %dma_wait3A_80 = tpu.memref_slice %arg6[%dma_wait3A] : memref<1600xf32, #tpu.memory_space<vmem>> -> memref<128xf32, #tpu.memory_space<vmem>>
    %dma_wait3A_81 = arith.constant 0 : i32
    %dma_wait3A_82 = tpu.memref_slice %arg5[%dma_wait3A_81] : memref<1600xi32, #tpu.memory_space<vmem>> -> memref<128xi32, #tpu.memory_space<vmem>>
    %dma_wait3A_83 = arith.constant 0 : i32
    %dma_wait3A_84 = tpu.memref_slice %arg2[%dma_wait3A_83] : memref<1048576xf32, #tpu.memory_space<hbm>> -> memref<1048576xf32, #tpu.memory_space<hbm>>
    tpu.wait_indirect_dma semaphore(%arg7 : memref<!tpu.dma_semaphore, #tpu.memory_space<semaphore_mem>>) src(%dma_wait3A_84 : memref<1048576xf32, #tpu.memory_space<hbm>>) dst(%dma_wait3A_80 : memref<128xf32, #tpu.memory_space<vmem>>)
    %dma_wait3A_85 = arith.constant 128 : i32
    %dma_wait3A_86 = tpu.memref_slice %arg6[%dma_wait3A_85] : memref<1600xf32, #tpu.memory_space<vmem>> -> memref<128xf32, #tpu.memory_space<vmem>>
    %dma_wait3A_87 = arith.constant 128 : i32
    %dma_wait3A_88 = tpu.memref_slice %arg5[%dma_wait3A_87] : memref<1600xi32, #tpu.memory_space<vmem>> -> memref<128xi32, #tpu.memory_space<vmem>>
    %dma_wait3A_89 = arith.constant 0 : i32
    %dma_wait3A_90 = tpu.memref_slice %arg2[%dma_wait3A_89] : memref<1048576xf32, #tpu.memory_space<hbm>> -> memref<1048576xf32, #tpu.memory_space<hbm>>
    tpu.wait_indirect_dma semaphore(%arg7 : memref<!tpu.dma_semaphore, #tpu.memory_space<semaphore_mem>>) src(%dma_wait3A_90 : memref<1048576xf32, #tpu.memory_space<hbm>>) dst(%dma_wait3A_86 : memref<128xf32, #tpu.memory_space<vmem>>)
    %dma_wait3A_91 = arith.constant 256 : i32
    %dma_wait3A_92 = tpu.memref_slice %arg6[%dma_wait3A_91] : memref<1600xf32, #tpu.memory_space<vmem>> -> memref<128xf32, #tpu.memory_space<vmem>>
    %dma_wait3A_93 = arith.constant 256 : i32
    %dma_wait3A_94 = tpu.memref_slice %arg5[%dma_wait3A_93] : memref<1600xi32, #tpu.memory_space<vmem>> -> memref<128xi32, #tpu.memory_space<vmem>>
    %dma_wait3A_95 = arith.constant 0 : i32
    %dma_wait3A_96 = tpu.memref_slice %arg2[%dma_wait3A_95] : memref<1048576xf32, #tpu.memory_space<hbm>> -> memref<1048576xf32, #tpu.memory_space<hbm>>
    tpu.wait_indirect_dma semaphore(%arg7 : memref<!tpu.dma_semaphore, #tpu.memory_space<semaphore_mem>>) src(%dma_wait3A_96 : memref<1048576xf32, #tpu.memory_space<hbm>>) dst(%dma_wait3A_92 : memref<128xf32, #tpu.memory_space<vmem>>)
    %dma_wait3A_97 = arith.constant 384 : i32
    %dma_wait3A_98 = tpu.memref_slice %arg6[%dma_wait3A_97] : memref<1600xf32, #tpu.memory_space<vmem>> -> memref<128xf32, #tpu.memory_space<vmem>>
    %dma_wait3A_99 = arith.constant 384 : i32
    %dma_wait3A_100 = tpu.memref_slice %arg5[%dma_wait3A_99] : memref<1600xi32, #tpu.memory_space<vmem>> -> memref<128xi32, #tpu.memory_space<vmem>>
    %dma_wait3A_101 = arith.constant 0 : i32
    %dma_wait3A_102 = tpu.memref_slice %arg2[%dma_wait3A_101] : memref<1048576xf32, #tpu.memory_space<hbm>> -> memref<1048576xf32, #tpu.memory_space<hbm>>
    tpu.wait_indirect_dma semaphore(%arg7 : memref<!tpu.dma_semaphore, #tpu.memory_space<semaphore_mem>>) src(%dma_wait3A_102 : memref<1048576xf32, #tpu.memory_space<hbm>>) dst(%dma_wait3A_98 : memref<128xf32, #tpu.memory_space<vmem>>)
    %dma_wait3A_103 = arith.constant 512 : i32
    %dma_wait3A_104 = tpu.memref_slice %arg6[%dma_wait3A_103] : memref<1600xf32, #tpu.memory_space<vmem>> -> memref<128xf32, #tpu.memory_space<vmem>>
    %dma_wait3A_105 = arith.constant 512 : i32
    %dma_wait3A_106 = tpu.memref_slice %arg5[%dma_wait3A_105] : memref<1600xi32, #tpu.memory_space<vmem>> -> memref<128xi32, #tpu.memory_space<vmem>>
    %dma_wait3A_107 = arith.constant 0 : i32
    %dma_wait3A_108 = tpu.memref_slice %arg2[%dma_wait3A_107] : memref<1048576xf32, #tpu.memory_space<hbm>> -> memref<1048576xf32, #tpu.memory_space<hbm>>
    tpu.wait_indirect_dma semaphore(%arg7 : memref<!tpu.dma_semaphore, #tpu.memory_space<semaphore_mem>>) src(%dma_wait3A_108 : memref<1048576xf32, #tpu.memory_space<hbm>>) dst(%dma_wait3A_104 : memref<128xf32, #tpu.memory_space<vmem>>)
    %dma_wait3A_109 = arith.constant 640 : i32
    %dma_wait3A_110 = tpu.memref_slice %arg6[%dma_wait3A_109] : memref<1600xf32, #tpu.memory_space<vmem>> -> memref<128xf32, #tpu.memory_space<vmem>>
    %dma_wait3A_111 = arith.constant 640 : i32
    %dma_wait3A_112 = tpu.memref_slice %arg5[%dma_wait3A_111] : memref<1600xi32, #tpu.memory_space<vmem>> -> memref<128xi32, #tpu.memory_space<vmem>>
    %dma_wait3A_113 = arith.constant 0 : i32
    %dma_wait3A_114 = tpu.memref_slice %arg2[%dma_wait3A_113] : memref<1048576xf32, #tpu.memory_space<hbm>> -> memref<1048576xf32, #tpu.memory_space<hbm>>
    tpu.wait_indirect_dma semaphore(%arg7 : memref<!tpu.dma_semaphore, #tpu.memory_space<semaphore_mem>>) src(%dma_wait3A_114 : memref<1048576xf32, #tpu.memory_space<hbm>>) dst(%dma_wait3A_110 : memref<128xf32, #tpu.memory_space<vmem>>)
    %dma_wait3A_115 = arith.constant 768 : i32
    %dma_wait3A_116 = tpu.memref_slice %arg6[%dma_wait3A_115] : memref<1600xf32, #tpu.memory_space<vmem>> -> memref<128xf32, #tpu.memory_space<vmem>>
    %dma_wait3A_117 = arith.constant 768 : i32
    %dma_wait3A_118 = tpu.memref_slice %arg5[%dma_wait3A_117] : memref<1600xi32, #tpu.memory_space<vmem>> -> memref<128xi32, #tpu.memory_space<vmem>>
    %dma_wait3A_119 = arith.constant 0 : i32
    %dma_wait3A_120 = tpu.memref_slice %arg2[%dma_wait3A_119] : memref<1048576xf32, #tpu.memory_space<hbm>> -> memref<1048576xf32, #tpu.memory_space<hbm>>
    tpu.wait_indirect_dma semaphore(%arg7 : memref<!tpu.dma_semaphore, #tpu.memory_space<semaphore_mem>>) src(%dma_wait3A_120 : memref<1048576xf32, #tpu.memory_space<hbm>>) dst(%dma_wait3A_116 : memref<128xf32, #tpu.memory_space<vmem>>)
    %dma_wait3A_121 = arith.constant 896 : i32
    %dma_wait3A_122 = tpu.memref_slice %arg6[%dma_wait3A_121] : memref<1600xf32, #tpu.memory_space<vmem>> -> memref<128xf32, #tpu.memory_space<vmem>>
    %dma_wait3A_123 = arith.constant 896 : i32
    %dma_wait3A_124 = tpu.memref_slice %arg5[%dma_wait3A_123] : memref<1600xi32, #tpu.memory_space<vmem>> -> memref<128xi32, #tpu.memory_space<vmem>>
    %dma_wait3A_125 = arith.constant 0 : i32
    %dma_wait3A_126 = tpu.memref_slice %arg2[%dma_wait3A_125] : memref<1048576xf32, #tpu.memory_space<hbm>> -> memref<1048576xf32, #tpu.memory_space<hbm>>
    tpu.wait_indirect_dma semaphore(%arg7 : memref<!tpu.dma_semaphore, #tpu.memory_space<semaphore_mem>>) src(%dma_wait3A_126 : memref<1048576xf32, #tpu.memory_space<hbm>>) dst(%dma_wait3A_122 : memref<128xf32, #tpu.memory_space<vmem>>)
    %dma_wait3A_127 = arith.constant 1024 : i32
    %dma_wait3A_128 = tpu.memref_slice %arg6[%dma_wait3A_127] : memref<1600xf32, #tpu.memory_space<vmem>> -> memref<128xf32, #tpu.memory_space<vmem>>
    %dma_wait3A_129 = arith.constant 1024 : i32
    %dma_wait3A_130 = tpu.memref_slice %arg5[%dma_wait3A_129] : memref<1600xi32, #tpu.memory_space<vmem>> -> memref<128xi32, #tpu.memory_space<vmem>>
    %dma_wait3A_131 = arith.constant 0 : i32
    %dma_wait3A_132 = tpu.memref_slice %arg2[%dma_wait3A_131] : memref<1048576xf32, #tpu.memory_space<hbm>> -> memref<1048576xf32, #tpu.memory_space<hbm>>
    tpu.wait_indirect_dma semaphore(%arg7 : memref<!tpu.dma_semaphore, #tpu.memory_space<semaphore_mem>>) src(%dma_wait3A_132 : memref<1048576xf32, #tpu.memory_space<hbm>>) dst(%dma_wait3A_128 : memref<128xf32, #tpu.memory_space<vmem>>)
    %dma_wait3A_133 = arith.constant 1152 : i32
    %dma_wait3A_134 = tpu.memref_slice %arg6[%dma_wait3A_133] : memref<1600xf32, #tpu.memory_space<vmem>> -> memref<128xf32, #tpu.memory_space<vmem>>
    %dma_wait3A_135 = arith.constant 1152 : i32
    %dma_wait3A_136 = tpu.memref_slice %arg5[%dma_wait3A_135] : memref<1600xi32, #tpu.memory_space<vmem>> -> memref<128xi32, #tpu.memory_space<vmem>>
    %dma_wait3A_137 = arith.constant 0 : i32
    %dma_wait3A_138 = tpu.memref_slice %arg2[%dma_wait3A_137] : memref<1048576xf32, #tpu.memory_space<hbm>> -> memref<1048576xf32, #tpu.memory_space<hbm>>
    tpu.wait_indirect_dma semaphore(%arg7 : memref<!tpu.dma_semaphore, #tpu.memory_space<semaphore_mem>>) src(%dma_wait3A_138 : memref<1048576xf32, #tpu.memory_space<hbm>>) dst(%dma_wait3A_134 : memref<128xf32, #tpu.memory_space<vmem>>)
    %dma_wait3A_139 = arith.constant 1280 : i32
    %dma_wait3A_140 = tpu.memref_slice %arg6[%dma_wait3A_139] : memref<1600xf32, #tpu.memory_space<vmem>> -> memref<128xf32, #tpu.memory_space<vmem>>
    %dma_wait3A_141 = arith.constant 1280 : i32
    %dma_wait3A_142 = tpu.memref_slice %arg5[%dma_wait3A_141] : memref<1600xi32, #tpu.memory_space<vmem>> -> memref<128xi32, #tpu.memory_space<vmem>>
    %dma_wait3A_143 = arith.constant 0 : i32
    %dma_wait3A_144 = tpu.memref_slice %arg2[%dma_wait3A_143] : memref<1048576xf32, #tpu.memory_space<hbm>> -> memref<1048576xf32, #tpu.memory_space<hbm>>
    tpu.wait_indirect_dma semaphore(%arg7 : memref<!tpu.dma_semaphore, #tpu.memory_space<semaphore_mem>>) src(%dma_wait3A_144 : memref<1048576xf32, #tpu.memory_space<hbm>>) dst(%dma_wait3A_140 : memref<128xf32, #tpu.memory_space<vmem>>)
    %dma_wait3A_145 = arith.constant 1408 : i32
    %dma_wait3A_146 = tpu.memref_slice %arg6[%dma_wait3A_145] : memref<1600xf32, #tpu.memory_space<vmem>> -> memref<128xf32, #tpu.memory_space<vmem>>
    %dma_wait3A_147 = arith.constant 1408 : i32
    %dma_wait3A_148 = tpu.memref_slice %arg5[%dma_wait3A_147] : memref<1600xi32, #tpu.memory_space<vmem>> -> memref<128xi32, #tpu.memory_space<vmem>>
    %dma_wait3A_149 = arith.constant 0 : i32
    %dma_wait3A_150 = tpu.memref_slice %arg2[%dma_wait3A_149] : memref<1048576xf32, #tpu.memory_space<hbm>> -> memref<1048576xf32, #tpu.memory_space<hbm>>
    tpu.wait_indirect_dma semaphore(%arg7 : memref<!tpu.dma_semaphore, #tpu.memory_space<semaphore_mem>>) src(%dma_wait3A_150 : memref<1048576xf32, #tpu.memory_space<hbm>>) dst(%dma_wait3A_146 : memref<128xf32, #tpu.memory_space<vmem>>)
    %dma_wait3A_151 = arith.constant 1536 : i32
    %dma_wait3A_152 = tpu.memref_slice %arg6[%dma_wait3A_151] : memref<1600xf32, #tpu.memory_space<vmem>> -> memref<64xf32, #tpu.memory_space<vmem>>
    %dma_wait3A_153 = arith.constant 1536 : i32
    %dma_wait3A_154 = tpu.memref_slice %arg5[%dma_wait3A_153] : memref<1600xi32, #tpu.memory_space<vmem>> -> memref<64xi32, #tpu.memory_space<vmem>>
    %dma_wait3A_155 = arith.constant 0 : i32
    %dma_wait3A_156 = tpu.memref_slice %arg2[%dma_wait3A_155] : memref<1048576xf32, #tpu.memory_space<hbm>> -> memref<1048576xf32, #tpu.memory_space<hbm>>
    tpu.wait_indirect_dma semaphore(%arg7 : memref<!tpu.dma_semaphore, #tpu.memory_space<semaphore_mem>>) src(%dma_wait3A_156 : memref<1048576xf32, #tpu.memory_space<hbm>>) dst(%dma_wait3A_152 : memref<64xf32, #tpu.memory_space<vmem>>)
    "tpu.region"() ({
      %run_scoped3A = tpu.sem_alloc : memref<!tpu.dma_semaphore, #tpu.memory_space<semaphore_mem>>
      %dma_start3A_157 = tpu.memref_slice %arg4[%mul3A_2] : memref<51200xf32, #tpu.memory_space<hbm>> -> memref<1600xf32, #tpu.memory_space<hbm>>
      %dma_start3A_158 = tpu.memref_slice %arg4[%mul3A_2] : memref<51200xf32, #tpu.memory_space<hbm>> -> memref<1600xf32, #tpu.memory_space<hbm>>
      tpu.enqueue_dma source(%arg6 : memref<1600xf32, #tpu.memory_space<vmem>>) target(%dma_start3A_158 : memref<1600xf32, #tpu.memory_space<hbm>>) target_semaphore(%run_scoped3A : memref<!tpu.dma_semaphore, #tpu.memory_space<semaphore_mem>>)
      %dma_wait3A_159 = tpu.memref_slice %arg4[%mul3A_2] : memref<51200xf32, #tpu.memory_space<hbm>> -> memref<1600xf32, #tpu.memory_space<hbm>>
      %dma_wait3A_160 = tpu.memref_slice %arg4[%mul3A_2] : memref<51200xf32, #tpu.memory_space<hbm>> -> memref<1600xf32, #tpu.memory_space<hbm>>
      tpu.wait_dma2 semaphore(%run_scoped3A : memref<!tpu.dma_semaphore, #tpu.memory_space<semaphore_mem>>) src(%arg6 : memref<1600xf32, #tpu.memory_space<vmem>>) dst(%dma_wait3A_160 : memref<1600xf32, #tpu.memory_space<hbm>>)
      tpu.yield
    }) : () -> ()
    return
  }
}

module attributes {stable_mosaic.version = 14 : i64} {
  func.func @_dense_body(%arg0: i32, %arg1: memref<1024xi32, #tpu.memory_space<vmem>>, %arg2: memref<1024xi32, #tpu.memory_space<vmem>>, %arg3: memref<1024x1024xf32, #tpu.memory_space<vmem>>, %arg4: memref<1024x512xf32, #tpu.memory_space<vmem>>, %arg5: memref<512x512xf32, #tpu.memory_space<vmem>>, %arg6: memref<512x1024xf32, #tpu.memory_space<vmem>>, %arg7: memref<1x1x512xf32, #tpu.memory_space<vmem>>, %arg8: memref<1x1x512xf32, #tpu.memory_space<vmem>>, %arg9: memref<512x1536xf32, #tpu.memory_space<vmem>>, %arg10: memref<1x1x512xf32, #tpu.memory_space<vmem>>, %arg11: memref<512x512xf32, #tpu.memory_space<vmem>>, %arg12: memref<1x512xf32, #tpu.memory_space<vmem>>, %arg13: memref<1000x512xf32, #tpu.memory_space<vmem>>, %arg14: memref<1024x1024xf32, #tpu.memory_space<vmem>>, %arg15: memref<1024x1024xf32, #tpu.memory_space<vmem>>, %arg16: memref<1024x8x128xf32, #tpu.memory_space<vmem>>, %arg17: memref<1024x1024xf32, #tpu.memory_space<vmem>>, %arg18: memref<1024x1024xf32, #tpu.memory_space<vmem>>, %arg19: memref<1024x512xf32, #tpu.memory_space<vmem>>, %arg20: memref<1024x512xf32, #tpu.memory_space<vmem>>, %arg21: memref<1024x512xf32, #tpu.memory_space<vmem>>) attributes {dimension_semantics = [#tpu.dimension_semantics<arbitrary>], iteration_bounds = array<i64: 13>, scalar_prefetch = 0 : i64, scratch_operands = 5 : i64, tpu.core_type = #tpu.core_type<tc>, window_params = [{pipeline_mode = #tpu.pipeline_mode<synchronous>, transform_indices = @transform_0, window_bounds = array<i64: 1024>}, {pipeline_mode = #tpu.pipeline_mode<synchronous>, transform_indices = @transform_1, window_bounds = array<i64: 1024>}, {pipeline_mode = #tpu.pipeline_mode<synchronous>, transform_indices = @transform_2, window_bounds = array<i64: 1024, 1024>}, {transform_indices = @transform_3, window_bounds = array<i64: 1024, 512>}, {transform_indices = @transform_4, window_bounds = array<i64: 512, 512>}, {transform_indices = @transform_5, window_bounds = array<i64: 512, 1024>}, {transform_indices = @transform_6, window_bounds = array<i64: 1, 1, 512>}, {transform_indices = @transform_7, window_bounds = array<i64: 1, 1, 512>}, {transform_indices = @transform_8, window_bounds = array<i64: 512, 1536>}, {transform_indices = @transform_9, window_bounds = array<i64: 1, 1, 512>}, {transform_indices = @transform_10, window_bounds = array<i64: 512, 512>}, {pipeline_mode = #tpu.pipeline_mode<synchronous>, transform_indices = @transform_11, window_bounds = array<i64: 1, 512>}, {pipeline_mode = #tpu.pipeline_mode<synchronous>, transform_indices = @transform_12, window_bounds = array<i64: 1000, 512>}, {pipeline_mode = #tpu.pipeline_mode<synchronous>, transform_indices = @transform_13, window_bounds = array<i64: 1024, 1024>}, {pipeline_mode = #tpu.pipeline_mode<synchronous>, transform_indices = @transform_14, window_bounds = array<i64: 1024, 1024>}, {pipeline_mode = #tpu.pipeline_mode<synchronous>, transform_indices = @transform_15, window_bounds = array<i64: 1024, 8, 128>}]} {
    %eq3A = arith.constant 0 : i32
    %eq3A_0 = arith.cmpi eq, %arg0, %eq3A : i32
    %convert_element_type3A = arith.extui %eq3A_0 : i1 to i32
    %cond3A = arith.constant 0 : i32
    %cond3A_1 = arith.cmpi ne, %convert_element_type3A, %cond3A : i32
    scf.if %cond3A_1 {
      %iota3A = tpu.iota {dimensions = array<i32: 0>} : vector<1000x1024xi32>
      %get3A = arith.constant 0 : index
      %get3A_22 = vector.load %arg1[%get3A] : memref<1024xi32, #tpu.memory_space<vmem>>, vector<1024xi32>
      %broadcast_in_dim3A = vector.shape_cast %get3A_22 : vector<1024xi32> to vector<1x1024xi32>
      %eq3A_23 = vector.broadcast %broadcast_in_dim3A : vector<1x1024xi32> to vector<1000x1024xi32>
      %eq3A_24 = arith.cmpi eq, %iota3A, %eq3A_23 : vector<1000x1024xi32>
      %convert_element_type3A_25 = arith.extui %eq3A_24 : vector<1000x1024xi1> to vector<1000x1024xi32>
      %convert_element_type3A_26 = arith.sitofp %convert_element_type3A_25 : vector<1000x1024xi32> to vector<1000x1024xf32>
      %get3A_27 = arith.constant 0 : index
      %get3A_28 = arith.constant 0 : index
      %get3A_29 = vector.load %arg13[%get3A_27, %get3A_28] : memref<1000x512xf32, #tpu.memory_space<vmem>>, vector<1000x512xf32>
      %dot_general3A = arith.constant dense<0.000000e+00> : vector<1024x512xf32>
      %dot_general3A_30 = tpu.matmul %convert_element_type3A_26, %get3A_29, %dot_general3A {dimension_numbers = #tpu.dot_dimension_numbers<[0], [0], [1], [1], [0, 1, 1, 1], [], []>, transpose_lhs_hint = false} : vector<1000x1024xf32>, vector<1000x512xf32>, vector<1024x512xf32> -> vector<1024x512xf32>
      %swap3A = arith.constant 0 : index
      %swap3A_31 = arith.constant 0 : index
      %swap3A_32 = vector.load %arg19[%swap3A, %swap3A_31] : memref<1024x512xf32, #tpu.memory_space<vmem>>, vector<1024x512xf32>
      tpu.vector_store %arg19[%swap3A, %swap3A_31], %dot_general3A_30 {strides = array<i32>} : memref<1024x512xf32, #tpu.memory_space<vmem>>, vector<1024x512xf32>,
      %get3A_33 = arith.constant 0 : index
      %get3A_34 = arith.constant 0 : index
      %get3A_35 = vector.load %arg13[%get3A_33, %get3A_34] : memref<1000x512xf32, #tpu.memory_space<vmem>>, vector<1000x512xf32>
      %swap3A_36 = arith.constant 0 : index
      %swap3A_37 = arith.constant 0 : index
      %swap3A_38 = vector.load %arg21[%swap3A_36, %swap3A_37] : memref<1024x512xf32, #tpu.memory_space<vmem>>, vector<1000x512xf32>
      tpu.vector_store %arg21[%swap3A_36, %swap3A_37], %get3A_35 {strides = array<i32>} : memref<1024x512xf32, #tpu.memory_space<vmem>>, vector<1000x512xf32>,
      %broadcast_in_dim3A_39 = arith.constant 0.000000e+00 : f32
      %broadcast_in_dim3A_40 = vector.broadcast %broadcast_in_dim3A_39 : f32 to vector<24x512xf32>
      %swap3A_41 = arith.constant 1000 : index
      %swap3A_42 = arith.constant 0 : index
      %swap3A_43 = vector.load %arg21[%swap3A_41, %swap3A_42] : memref<1024x512xf32, #tpu.memory_space<vmem>>, vector<24x512xf32>
      tpu.vector_store %arg21[%swap3A_41, %swap3A_42], %broadcast_in_dim3A_40 {strides = array<i32>} : memref<1024x512xf32, #tpu.memory_space<vmem>>, vector<24x512xf32>,
    } else {
    }
    %lt3A = arith.constant 8 : i32
    %lt3A_2 = arith.cmpi slt, %arg0, %lt3A : i32
    %convert_element_type3A_3 = arith.extui %lt3A_2 : i1 to i32
    %cond3A_4 = arith.constant 0 : i32
    %cond3A_5 = arith.cmpi ne, %convert_element_type3A_3, %cond3A_4 : i32
    scf.if %cond3A_5 {
      %get3A = arith.constant 0 : index
      %get3A_22 = arith.constant 0 : index
      %get3A_23 = vector.load %arg19[%get3A, %get3A_22] : memref<1024x512xf32, #tpu.memory_space<vmem>>, vector<1024x512xf32>
      %get3A_24 = arith.constant 0 : index
      %get3A_25 = arith.constant 0 : index
      %get3A_26 = vector.load %arg5[%get3A_24, %get3A_25] : memref<512x512xf32, #tpu.memory_space<vmem>>, vector<512x512xf32>
      %dot_general3A = arith.constant dense<0.000000e+00> : vector<1024x512xf32>
      %dot_general3A_27 = tpu.matmul %get3A_23, %get3A_26, %dot_general3A {dimension_numbers = #tpu.dot_dimension_numbers<[1], [1], [0], [0], [0, 0, 1, 0], [], []>, transpose_lhs_hint = false} : vector<1024x512xf32>, vector<512x512xf32>, vector<1024x512xf32> -> vector<1024x512xf32>
      %get3A_28 = arith.constant 0 : index
      %get3A_29 = arith.constant 0 : index
      %get3A_30 = vector.load %arg3[%get3A_28, %get3A_29] : memref<1024x1024xf32, #tpu.memory_space<vmem>>, vector<1024x1024xf32>
      %get3A_31 = arith.constant 0 : index
      %get3A_32 = arith.constant 0 : index
      %get3A_33 = vector.load %arg6[%get3A_31, %get3A_32] : memref<512x1024xf32, #tpu.memory_space<vmem>>, vector<512x1024xf32>
      %dot_general3A_34 = arith.constant dense<0.000000e+00> : vector<1024x512xf32>
      %dot_general3A_35 = tpu.matmul %get3A_30, %get3A_33, %dot_general3A_34 {dimension_numbers = #tpu.dot_dimension_numbers<[1], [1], [0], [0], [0, 0, 1, 0], [], []>, transpose_lhs_hint = false} : vector<1024x1024xf32>, vector<512x1024xf32>, vector<1024x512xf32> -> vector<1024x512xf32>
      %add3A = arith.addf %dot_general3A_27, %dot_general3A_35 : vector<1024x512xf32>
      %get3A_36 = arith.constant 0 : index
      %get3A_37 = arith.constant 0 : index
      %get3A_38 = arith.constant 0 : index
      %get3A_39 = vector.load %arg7[%get3A_36, %get3A_37, %get3A_38] : memref<1x1x512xf32, #tpu.memory_space<vmem>>, vector<1x1x512xf32>
      %get3A_40 = vector.shape_cast %get3A_39 : vector<1x1x512xf32> to vector<1x512xf32>
      %get3A_41 = arith.constant 0 : index
      %get3A_42 = arith.constant 0 : index
      %get3A_43 = arith.constant 0 : index
      %get3A_44 = vector.load %arg8[%get3A_41, %get3A_42, %get3A_43] : memref<1x1x512xf32, #tpu.memory_space<vmem>>, vector<1x1x512xf32>
      %get3A_45 = vector.shape_cast %get3A_44 : vector<1x1x512xf32> to vector<1x512xf32>
      %add3A_46 = arith.addf %get3A_40, %get3A_45 : vector<1x512xf32>
      %add3A_47 = vector.broadcast %add3A_46 : vector<1x512xf32> to vector<1024x512xf32>
      %add3A_48 = arith.addf %add3A, %add3A_47 : vector<1024x512xf32>
      %eq3A_49 = arith.constant 0 : i32
      %eq3A_50 = arith.cmpi eq, %arg0, %eq3A_49 : i32
      %convert_element_type3A_51 = arith.extui %eq3A_50 : i1 to i32
      %cond3A_52 = arith.constant 0 : i32
      %cond3A_53 = arith.cmpi ne, %convert_element_type3A_51, %cond3A_52 : i32
      scf.if %cond3A_53 {
        %mul3A = arith.constant 5.000000e-01 : f32
        %mul3A_89 = vector.broadcast %mul3A : f32 to vector<1024x512xf32>
        %mul3A_90 = arith.mulf %mul3A_89, %add3A_48 : vector<1024x512xf32>
        %tanh3A = math.tanh %mul3A_90 : vector<1024x512xf32>
        %mul3A_91 = arith.constant 5.000000e-01 : f32
        %mul3A_92 = vector.broadcast %mul3A_91 : f32 to vector<1024x512xf32>
        %mul3A_93 = arith.mulf %mul3A_92, %tanh3A : vector<1024x512xf32>
        %add3A_94 = arith.constant 5.000000e-01 : f32
        %add3A_95 = vector.broadcast %add3A_94 : f32 to vector<1024x512xf32>
        %add3A_96 = arith.addf %mul3A_93, %add3A_95 : vector<1024x512xf32>
        %swap3A = arith.constant 0 : index
        %swap3A_97 = arith.constant 0 : index
        %swap3A_98 = vector.load %arg17[%swap3A, %swap3A_97] : memref<1024x1024xf32, #tpu.memory_space<vmem>>, vector<1024x512xf32>
        tpu.vector_store %arg17[%swap3A, %swap3A_97], %add3A_96 {strides = array<i32>} : memref<1024x1024xf32, #tpu.memory_space<vmem>>, vector<1024x512xf32>,
      } else {
      }
      %eq3A_54 = arith.constant 1 : i32
      %eq3A_55 = arith.cmpi eq, %arg0, %eq3A_54 : i32
      %convert_element_type3A_56 = arith.extui %eq3A_55 : i1 to i32
      %cond3A_57 = arith.constant 0 : i32
      %cond3A_58 = arith.cmpi ne, %convert_element_type3A_56, %cond3A_57 : i32
      scf.if %cond3A_58 {
        %mul3A = arith.constant 5.000000e-01 : f32
        %mul3A_89 = vector.broadcast %mul3A : f32 to vector<1024x512xf32>
        %mul3A_90 = arith.mulf %mul3A_89, %add3A_48 : vector<1024x512xf32>
        %tanh3A = math.tanh %mul3A_90 : vector<1024x512xf32>
        %mul3A_91 = arith.constant 5.000000e-01 : f32
        %mul3A_92 = vector.broadcast %mul3A_91 : f32 to vector<1024x512xf32>
        %mul3A_93 = arith.mulf %mul3A_92, %tanh3A : vector<1024x512xf32>
        %add3A_94 = arith.constant 5.000000e-01 : f32
        %add3A_95 = vector.broadcast %add3A_94 : f32 to vector<1024x512xf32>
        %add3A_96 = arith.addf %mul3A_93, %add3A_95 : vector<1024x512xf32>
        %swap3A = arith.constant 0 : index
        %swap3A_97 = arith.constant 512 : index
        %swap3A_98 = vector.load %arg17[%swap3A, %swap3A_97] : memref<1024x1024xf32, #tpu.memory_space<vmem>>, vector<1024x512xf32>
        tpu.vector_store %arg17[%swap3A, %swap3A_97], %add3A_96 {strides = array<i32>} : memref<1024x1024xf32, #tpu.memory_space<vmem>>, vector<1024x512xf32>,
      } else {
      }
      %eq3A_59 = arith.constant 2 : i32
      %eq3A_60 = arith.cmpi eq, %arg0, %eq3A_59 : i32
      %convert_element_type3A_61 = arith.extui %eq3A_60 : i1 to i32
      %cond3A_62 = arith.constant 0 : i32
      %cond3A_63 = arith.cmpi ne, %convert_element_type3A_61, %cond3A_62 : i32
      scf.if %cond3A_63 {
        %mul3A = arith.constant 5.000000e-01 : f32
        %mul3A_89 = vector.broadcast %mul3A : f32 to vector<1024x512xf32>
        %mul3A_90 = arith.mulf %mul3A_89, %add3A_48 : vector<1024x512xf32>
        %tanh3A = math.tanh %mul3A_90 : vector<1024x512xf32>
        %mul3A_91 = arith.constant 5.000000e-01 : f32
        %mul3A_92 = vector.broadcast %mul3A_91 : f32 to vector<1024x512xf32>
        %mul3A_93 = arith.mulf %mul3A_92, %tanh3A : vector<1024x512xf32>
        %add3A_94 = arith.constant 5.000000e-01 : f32
        %add3A_95 = vector.broadcast %add3A_94 : f32 to vector<1024x512xf32>
        %add3A_96 = arith.addf %mul3A_93, %add3A_95 : vector<1024x512xf32>
        %swap3A = arith.constant 0 : index
        %swap3A_97 = arith.constant 0 : index
        %swap3A_98 = vector.load %arg18[%swap3A, %swap3A_97] : memref<1024x1024xf32, #tpu.memory_space<vmem>>, vector<1024x512xf32>
        tpu.vector_store %arg18[%swap3A, %swap3A_97], %add3A_96 {strides = array<i32>} : memref<1024x1024xf32, #tpu.memory_space<vmem>>, vector<1024x512xf32>,
      } else {
      }
      %eq3A_64 = arith.constant 3 : i32
      %eq3A_65 = arith.cmpi eq, %arg0, %eq3A_64 : i32
      %convert_element_type3A_66 = arith.extui %eq3A_65 : i1 to i32
      %cond3A_67 = arith.constant 0 : i32
      %cond3A_68 = arith.cmpi ne, %convert_element_type3A_66, %cond3A_67 : i32
      scf.if %cond3A_68 {
        %mul3A = arith.constant 5.000000e-01 : f32
        %mul3A_89 = vector.broadcast %mul3A : f32 to vector<1024x512xf32>
        %mul3A_90 = arith.mulf %mul3A_89, %add3A_48 : vector<1024x512xf32>
        %tanh3A = math.tanh %mul3A_90 : vector<1024x512xf32>
        %mul3A_91 = arith.constant 5.000000e-01 : f32
        %mul3A_92 = vector.broadcast %mul3A_91 : f32 to vector<1024x512xf32>
        %mul3A_93 = arith.mulf %mul3A_92, %tanh3A : vector<1024x512xf32>
        %add3A_94 = arith.constant 5.000000e-01 : f32
        %add3A_95 = vector.broadcast %add3A_94 : f32 to vector<1024x512xf32>
        %add3A_96 = arith.addf %mul3A_93, %add3A_95 : vector<1024x512xf32>
        %swap3A = arith.constant 0 : index
        %swap3A_97 = arith.constant 512 : index
        %swap3A_98 = vector.load %arg18[%swap3A, %swap3A_97] : memref<1024x1024xf32, #tpu.memory_space<vmem>>, vector<1024x512xf32>
        tpu.vector_store %arg18[%swap3A, %swap3A_97], %add3A_96 {strides = array<i32>} : memref<1024x1024xf32, #tpu.memory_space<vmem>>, vector<1024x512xf32>,
      } else {
      }
      %eq3A_69 = arith.constant 4 : i32
      %eq3A_70 = arith.cmpi eq, %arg0, %eq3A_69 : i32
      %convert_element_type3A_71 = arith.extui %eq3A_70 : i1 to i32
      %cond3A_72 = arith.constant 0 : i32
      %cond3A_73 = arith.cmpi ne, %convert_element_type3A_71, %cond3A_72 : i32
      scf.if %cond3A_73 {
        %get3A_89 = arith.constant 0 : index
        %get3A_90 = arith.constant 0 : index
        %get3A_91 = vector.load %arg17[%get3A_89, %get3A_90] : memref<1024x1024xf32, #tpu.memory_space<vmem>>, vector<1024x512xf32>
        %tanh3A = math.tanh %add3A_48 : vector<1024x512xf32>
        %mul3A = arith.mulf %get3A_91, %tanh3A : vector<1024x512xf32>
        %swap3A = arith.constant 0 : index
        %swap3A_92 = arith.constant 0 : index
        %swap3A_93 = vector.load %arg17[%swap3A, %swap3A_92] : memref<1024x1024xf32, #tpu.memory_space<vmem>>, vector<1024x512xf32>
        tpu.vector_store %arg17[%swap3A, %swap3A_92], %mul3A {strides = array<i32>} : memref<1024x1024xf32, #tpu.memory_space<vmem>>, vector<1024x512xf32>,
      } else {
      }
      %eq3A_74 = arith.constant 5 : i32
      %eq3A_75 = arith.cmpi eq, %arg0, %eq3A_74 : i32
      %convert_element_type3A_76 = arith.extui %eq3A_75 : i1 to i32
      %cond3A_77 = arith.constant 0 : i32
      %cond3A_78 = arith.cmpi ne, %convert_element_type3A_76, %cond3A_77 : i32
      scf.if %cond3A_78 {
        %get3A_89 = arith.constant 0 : index
        %get3A_90 = arith.constant 512 : index
        %get3A_91 = vector.load %arg17[%get3A_89, %get3A_90] : memref<1024x1024xf32, #tpu.memory_space<vmem>>, vector<1024x512xf32>
        %tanh3A = math.tanh %add3A_48 : vector<1024x512xf32>
        %mul3A = arith.mulf %get3A_91, %tanh3A : vector<1024x512xf32>
        %swap3A = arith.constant 0 : index
        %swap3A_92 = arith.constant 512 : index
        %swap3A_93 = vector.load %arg17[%swap3A, %swap3A_92] : memref<1024x1024xf32, #tpu.memory_space<vmem>>, vector<1024x512xf32>
        tpu.vector_store %arg17[%swap3A, %swap3A_92], %mul3A {strides = array<i32>} : memref<1024x1024xf32, #tpu.memory_space<vmem>>, vector<1024x512xf32>,
      } else {
      }
      %eq3A_79 = arith.constant 6 : i32
      %eq3A_80 = arith.cmpi eq, %arg0, %eq3A_79 : i32
      %convert_element_type3A_81 = arith.extui %eq3A_80 : i1 to i32
      %cond3A_82 = arith.constant 0 : i32
      %cond3A_83 = arith.cmpi ne, %convert_element_type3A_81, %cond3A_82 : i32
      scf.if %cond3A_83 {
        %mul3A = arith.constant 5.000000e-01 : f32
        %mul3A_89 = vector.broadcast %mul3A : f32 to vector<1024x512xf32>
        %mul3A_90 = arith.mulf %mul3A_89, %add3A_48 : vector<1024x512xf32>
        %tanh3A = math.tanh %mul3A_90 : vector<1024x512xf32>
        %mul3A_91 = arith.constant 5.000000e-01 : f32
        %mul3A_92 = vector.broadcast %mul3A_91 : f32 to vector<1024x512xf32>
        %mul3A_93 = arith.mulf %mul3A_92, %tanh3A : vector<1024x512xf32>
        %add3A_94 = arith.constant 5.000000e-01 : f32
        %add3A_95 = vector.broadcast %add3A_94 : f32 to vector<1024x512xf32>
        %add3A_96 = arith.addf %mul3A_93, %add3A_95 : vector<1024x512xf32>
        %get3A_97 = arith.constant 0 : index
        %get3A_98 = arith.constant 0 : index
        %get3A_99 = vector.load %arg18[%get3A_97, %get3A_98] : memref<1024x1024xf32, #tpu.memory_space<vmem>>, vector<1024x512xf32>
        %get3A_100 = arith.constant 0 : index
        %get3A_101 = arith.constant 0 : index
        %get3A_102 = vector.load %arg4[%get3A_100, %get3A_101] : memref<1024x512xf32, #tpu.memory_space<vmem>>, vector<1024x512xf32>
        %mul3A_103 = arith.mulf %get3A_99, %get3A_102 : vector<1024x512xf32>
        %get3A_104 = arith.constant 0 : index
        %get3A_105 = arith.constant 0 : index
        %get3A_106 = vector.load %arg17[%get3A_104, %get3A_105] : memref<1024x1024xf32, #tpu.memory_space<vmem>>, vector<1024x512xf32>
        %add3A_107 = arith.addf %mul3A_103, %get3A_106 : vector<1024x512xf32>
        %tanh3A_108 = math.tanh %add3A_107 : vector<1024x512xf32>
        %mul3A_109 = arith.mulf %add3A_96, %tanh3A_108 : vector<1024x512xf32>
        %swap3A = arith.constant 0 : index
        %swap3A_110 = arith.constant 0 : index
        %swap3A_111 = vector.load %arg14[%swap3A, %swap3A_110] : memref<1024x1024xf32, #tpu.memory_space<vmem>>, vector<1024x512xf32>
        tpu.vector_store %arg14[%swap3A, %swap3A_110], %mul3A_109 {strides = array<i32>} : memref<1024x1024xf32, #tpu.memory_space<vmem>>, vector<1024x512xf32>,
        %swap3A_112 = arith.constant 0 : index
        %swap3A_113 = arith.constant 0 : index
        %swap3A_114 = vector.load %arg15[%swap3A_112, %swap3A_113] : memref<1024x1024xf32, #tpu.memory_space<vmem>>, vector<1024x512xf32>
        tpu.vector_store %arg15[%swap3A_112, %swap3A_113], %add3A_107 {strides = array<i32>} : memref<1024x1024xf32, #tpu.memory_space<vmem>>, vector<1024x512xf32>,
      } else {
      }
      %eq3A_84 = arith.constant 7 : i32
      %eq3A_85 = arith.cmpi eq, %arg0, %eq3A_84 : i32
      %convert_element_type3A_86 = arith.extui %eq3A_85 : i1 to i32
      %cond3A_87 = arith.constant 0 : i32
      %cond3A_88 = arith.cmpi ne, %convert_element_type3A_86, %cond3A_87 : i32
      scf.if %cond3A_88 {
        %mul3A = arith.constant 5.000000e-01 : f32
        %mul3A_89 = vector.broadcast %mul3A : f32 to vector<1024x512xf32>
        %mul3A_90 = arith.mulf %mul3A_89, %add3A_48 : vector<1024x512xf32>
        %tanh3A = math.tanh %mul3A_90 : vector<1024x512xf32>
        %mul3A_91 = arith.constant 5.000000e-01 : f32
        %mul3A_92 = vector.broadcast %mul3A_91 : f32 to vector<1024x512xf32>
        %mul3A_93 = arith.mulf %mul3A_92, %tanh3A : vector<1024x512xf32>
        %add3A_94 = arith.constant 5.000000e-01 : f32
        %add3A_95 = vector.broadcast %add3A_94 : f32 to vector<1024x512xf32>
        %add3A_96 = arith.addf %mul3A_93, %add3A_95 : vector<1024x512xf32>
        %get3A_97 = arith.constant 0 : index
        %get3A_98 = arith.constant 512 : index
        %get3A_99 = vector.load %arg18[%get3A_97, %get3A_98] : memref<1024x1024xf32, #tpu.memory_space<vmem>>, vector<1024x512xf32>
        %get3A_100 = arith.constant 0 : index
        %get3A_101 = arith.constant 0 : index
        %get3A_102 = vector.load %arg4[%get3A_100, %get3A_101] : memref<1024x512xf32, #tpu.memory_space<vmem>>, vector<1024x512xf32>
        %mul3A_103 = arith.mulf %get3A_99, %get3A_102 : vector<1024x512xf32>
        %get3A_104 = arith.constant 0 : index
        %get3A_105 = arith.constant 512 : index
        %get3A_106 = vector.load %arg17[%get3A_104, %get3A_105] : memref<1024x1024xf32, #tpu.memory_space<vmem>>, vector<1024x512xf32>
        %add3A_107 = arith.addf %mul3A_103, %get3A_106 : vector<1024x512xf32>
        %tanh3A_108 = math.tanh %add3A_107 : vector<1024x512xf32>
        %mul3A_109 = arith.mulf %add3A_96, %tanh3A_108 : vector<1024x512xf32>
        %swap3A = arith.constant 0 : index
        %swap3A_110 = arith.constant 512 : index
        %swap3A_111 = vector.load %arg14[%swap3A, %swap3A_110] : memref<1024x1024xf32, #tpu.memory_space<vmem>>, vector<1024x512xf32>
        tpu.vector_store %arg14[%swap3A, %swap3A_110], %mul3A_109 {strides = array<i32>} : memref<1024x1024xf32, #tpu.memory_space<vmem>>, vector<1024x512xf32>,
        %swap3A_112 = arith.constant 0 : index
        %swap3A_113 = arith.constant 512 : index
        %swap3A_114 = vector.load %arg15[%swap3A_112, %swap3A_113] : memref<1024x1024xf32, #tpu.memory_space<vmem>>, vector<1024x512xf32>
        tpu.vector_store %arg15[%swap3A_112, %swap3A_113], %add3A_107 {strides = array<i32>} : memref<1024x1024xf32, #tpu.memory_space<vmem>>, vector<1024x512xf32>,
      } else {
      }
    } else {
    }
    %eq3A_6 = arith.constant 8 : i32
    %eq3A_7 = arith.cmpi eq, %arg0, %eq3A_6 : i32
    %convert_element_type3A_8 = arith.extui %eq3A_7 : i1 to i32
    %cond3A_9 = arith.constant 0 : i32
    %cond3A_10 = arith.cmpi ne, %convert_element_type3A_8, %cond3A_9 : i32
    scf.if %cond3A_10 {
      %iota3A = tpu.iota {dimensions = array<i32: 0>} : vector<1000x1024xi32>
      %get3A = arith.constant 0 : index
      %get3A_22 = vector.load %arg2[%get3A] : memref<1024xi32, #tpu.memory_space<vmem>>, vector<1024xi32>
      %broadcast_in_dim3A = vector.shape_cast %get3A_22 : vector<1024xi32> to vector<1x1024xi32>
      %eq3A_23 = vector.broadcast %broadcast_in_dim3A : vector<1x1024xi32> to vector<1000x1024xi32>
      %eq3A_24 = arith.cmpi eq, %iota3A, %eq3A_23 : vector<1000x1024xi32>
      %convert_element_type3A_25 = arith.extui %eq3A_24 : vector<1000x1024xi1> to vector<1000x1024xi32>
      %convert_element_type3A_26 = arith.sitofp %convert_element_type3A_25 : vector<1000x1024xi32> to vector<1000x1024xf32>
      %get3A_27 = arith.constant 0 : index
      %get3A_28 = arith.constant 0 : index
      %get3A_29 = vector.load %arg13[%get3A_27, %get3A_28] : memref<1000x512xf32, #tpu.memory_space<vmem>>, vector<1000x512xf32>
      %dot_general3A = arith.constant dense<0.000000e+00> : vector<1024x512xf32>
      %dot_general3A_30 = tpu.matmul %convert_element_type3A_26, %get3A_29, %dot_general3A {dimension_numbers = #tpu.dot_dimension_numbers<[0], [0], [1], [1], [0, 1, 1, 1], [], []>, transpose_lhs_hint = false} : vector<1000x1024xf32>, vector<1000x512xf32>, vector<1024x512xf32> -> vector<1024x512xf32>
      %swap3A = arith.constant 0 : index
      %swap3A_31 = arith.constant 0 : index
      %swap3A_32 = vector.load %arg19[%swap3A, %swap3A_31] : memref<1024x512xf32, #tpu.memory_space<vmem>>, vector<1024x512xf32>
      tpu.vector_store %arg19[%swap3A, %swap3A_31], %dot_general3A_30 {strides = array<i32>} : memref<1024x512xf32, #tpu.memory_space<vmem>>, vector<1024x512xf32>,
    } else {
    }
    %ge3A = arith.constant 8 : i32
    %ge3A_11 = arith.cmpi sge, %arg0, %ge3A : i32
    %lt3A_12 = arith.constant 12 : i32
    %lt3A_13 = arith.cmpi slt, %arg0, %lt3A_12 : i32
    %and3A = arith.andi %ge3A_11, %lt3A_13 : i1
    %convert_element_type3A_14 = arith.extui %and3A : i1 to i32
    %cond3A_15 = arith.constant 0 : i32
    %cond3A_16 = arith.cmpi ne, %convert_element_type3A_14, %cond3A_15 : i32
    scf.if %cond3A_16 {
      %get3A = arith.constant 0 : index
      %get3A_22 = arith.constant 0 : index
      %get3A_23 = vector.load %arg14[%get3A, %get3A_22] : memref<1024x1024xf32, #tpu.memory_space<vmem>>, vector<1024x1024xf32>
      %get3A_24 = arith.constant 0 : index
      %get3A_25 = arith.constant 0 : index
      %get3A_26 = vector.load %arg9[%get3A_24, %get3A_25] : memref<512x1536xf32, #tpu.memory_space<vmem>>, vector<512x1024xf32>
      %dot_general3A = arith.constant dense<0.000000e+00> : vector<1024x512xf32>
      %dot_general3A_27 = tpu.matmul %get3A_23, %get3A_26, %dot_general3A {dimension_numbers = #tpu.dot_dimension_numbers<[1], [1], [0], [0], [0, 0, 1, 0], [], []>, transpose_lhs_hint = false} : vector<1024x1024xf32>, vector<512x1024xf32>, vector<1024x512xf32> -> vector<1024x512xf32>
      %get3A_28 = arith.constant 0 : index
      %get3A_29 = arith.constant 0 : index
      %get3A_30 = vector.load %arg19[%get3A_28, %get3A_29] : memref<1024x512xf32, #tpu.memory_space<vmem>>, vector<1024x512xf32>
      %get3A_31 = arith.constant 0 : index
      %get3A_32 = arith.constant 1024 : index
      %get3A_33 = vector.load %arg9[%get3A_31, %get3A_32] : memref<512x1536xf32, #tpu.memory_space<vmem>>, vector<512x512xf32>
      %dot_general3A_34 = arith.constant dense<0.000000e+00> : vector<1024x512xf32>
      %dot_general3A_35 = tpu.matmul %get3A_30, %get3A_33, %dot_general3A_34 {dimension_numbers = #tpu.dot_dimension_numbers<[1], [1], [0], [0], [0, 0, 1, 0], [], []>, transpose_lhs_hint = false} : vector<1024x512xf32>, vector<512x512xf32>, vector<1024x512xf32> -> vector<1024x512xf32>
      %add3A = arith.addf %dot_general3A_27, %dot_general3A_35 : vector<1024x512xf32>
      %get3A_36 = arith.constant 0 : index
      %get3A_37 = arith.constant 0 : index
      %get3A_38 = arith.constant 0 : index
      %get3A_39 = vector.load %arg10[%get3A_36, %get3A_37, %get3A_38] : memref<1x1x512xf32, #tpu.memory_space<vmem>>, vector<1x1x512xf32>
      %get3A_40 = vector.shape_cast %get3A_39 : vector<1x1x512xf32> to vector<1x512xf32>
      %add3A_41 = vector.broadcast %get3A_40 : vector<1x512xf32> to vector<1024x512xf32>
      %add3A_42 = arith.addf %add3A, %add3A_41 : vector<1024x512xf32>
      %max3A = arith.constant 0.000000e+00 : f32
      %max3A_43 = vector.broadcast %max3A : f32 to vector<1024x512xf32>
      %max3A_44 = arith.maximumf %add3A_42, %max3A_43 : vector<1024x512xf32>
      %get3A_45 = arith.constant 0 : index
      %get3A_46 = arith.constant 0 : index
      %get3A_47 = vector.load %arg11[%get3A_45, %get3A_46] : memref<512x512xf32, #tpu.memory_space<vmem>>, vector<512x512xf32>
      %dot_general3A_48 = arith.constant dense<0.000000e+00> : vector<1024x512xf32>
      %dot_general3A_49 = tpu.matmul %max3A_44, %get3A_47, %dot_general3A_48 {dimension_numbers = #tpu.dot_dimension_numbers<[1], [1], [0], [0], [0, 0, 1, 0], [], []>, transpose_lhs_hint = false} : vector<1024x512xf32>, vector<512x512xf32>, vector<1024x512xf32> -> vector<1024x512xf32>
      %eq3A_50 = arith.constant 8 : i32
      %eq3A_51 = arith.cmpi eq, %arg0, %eq3A_50 : i32
      %convert_element_type3A_52 = arith.extui %eq3A_51 : i1 to i32
      %cond3A_53 = arith.constant 0 : i32
      %cond3A_54 = arith.cmpi ne, %convert_element_type3A_52, %cond3A_53 : i32
      scf.if %cond3A_54 {
        %swap3A = arith.constant 0 : index
        %swap3A_59 = arith.constant 0 : index
        %swap3A_60 = vector.load %arg20[%swap3A, %swap3A_59] : memref<1024x512xf32, #tpu.memory_space<vmem>>, vector<1024x512xf32>
        tpu.vector_store %arg20[%swap3A, %swap3A_59], %dot_general3A_49 {strides = array<i32>} : memref<1024x512xf32, #tpu.memory_space<vmem>>, vector<1024x512xf32>,
      } else {
      }
      %gt3A = arith.constant 8 : i32
      %gt3A_55 = arith.cmpi sgt, %arg0, %gt3A : i32
      %convert_element_type3A_56 = arith.extui %gt3A_55 : i1 to i32
      %cond3A_57 = arith.constant 0 : i32
      %cond3A_58 = arith.cmpi ne, %convert_element_type3A_56, %cond3A_57 : i32
      scf.if %cond3A_58 {
        %get3A_59 = arith.constant 0 : index
        %get3A_60 = arith.constant 0 : index
        %get3A_61 = vector.load %arg20[%get3A_59, %get3A_60] : memref<1024x512xf32, #tpu.memory_space<vmem>>, vector<1024x512xf32>
        %add3A_62 = arith.addf %get3A_61, %dot_general3A_49 : vector<1024x512xf32>
        %swap3A = arith.constant 0 : index
        %swap3A_63 = arith.constant 0 : index
        %swap3A_64 = vector.load %arg20[%swap3A, %swap3A_63] : memref<1024x512xf32, #tpu.memory_space<vmem>>, vector<1024x512xf32>
        tpu.vector_store %arg20[%swap3A, %swap3A_63], %add3A_62 {strides = array<i32>} : memref<1024x512xf32, #tpu.memory_space<vmem>>, vector<1024x512xf32>,
      } else {
      }
    } else {
    }
    %eq3A_17 = arith.constant 12 : i32
    %eq3A_18 = arith.cmpi eq, %arg0, %eq3A_17 : i32
    %convert_element_type3A_19 = arith.extui %eq3A_18 : i1 to i32
    %cond3A_20 = arith.constant 0 : i32
    %cond3A_21 = arith.cmpi ne, %convert_element_type3A_19, %cond3A_20 : i32
    scf.if %cond3A_21 {
      %get3A = arith.constant 0 : index
      %get3A_22 = arith.constant 0 : index
      %get3A_23 = vector.load %arg20[%get3A, %get3A_22] : memref<1024x512xf32, #tpu.memory_space<vmem>>, vector<1024x512xf32>
      %get3A_24 = arith.constant 0 : index
      %get3A_25 = arith.constant 0 : index
      %get3A_26 = vector.load %arg12[%get3A_24, %get3A_25] : memref<1x512xf32, #tpu.memory_space<vmem>>, vector<1x512xf32>
      %add3A = vector.broadcast %get3A_26 : vector<1x512xf32> to vector<1024x512xf32>
      %add3A_27 = arith.addf %get3A_23, %add3A : vector<1024x512xf32>
      %max3A = arith.constant 0.000000e+00 : f32
      %max3A_28 = vector.broadcast %max3A : f32 to vector<1024x512xf32>
      %max3A_29 = arith.maximumf %add3A_27, %max3A_28 : vector<1024x512xf32>
      %get3A_30 = arith.constant 0 : index
      %get3A_31 = arith.constant 0 : index
      %get3A_32 = vector.load %arg21[%get3A_30, %get3A_31] : memref<1024x512xf32, #tpu.memory_space<vmem>>, vector<1024x512xf32>
      %dot_general3A = arith.constant dense<0.000000e+00> : vector<1024x1024xf32>
      %dot_general3A_33 = tpu.matmul %max3A_29, %get3A_32, %dot_general3A {dimension_numbers = #tpu.dot_dimension_numbers<[1], [1], [0], [0], [0, 0, 1, 0], [], []>, transpose_lhs_hint = false} : vector<1024x512xf32>, vector<1024x512xf32>, vector<1024x1024xf32> -> vector<1024x1024xf32>
      %reshape3A = vector.shape_cast %dot_general3A_33 : vector<1024x1024xf32> to vector<1024x8x128xf32>
      %swap3A = arith.constant 0 : index
      %swap3A_34 = arith.constant 0 : index
      %swap3A_35 = arith.constant 0 : index
      %swap3A_36 = vector.load %arg16[%swap3A, %swap3A_34, %swap3A_35] : memref<1024x8x128xf32, #tpu.memory_space<vmem>>, vector<1024x8x128xf32>
      tpu.vector_store %arg16[%swap3A, %swap3A_34, %swap3A_35], %reshape3A {strides = array<i32>} : memref<1024x8x128xf32, #tpu.memory_space<vmem>>, vector<1024x8x128xf32>,
    } else {
    }
    return
  }
  func.func @transform_0(%arg0: i32) -> i32 {
    %c0_i32 = arith.constant 0 : i32
    %c0_i32_0 = arith.constant 0 : i32
    return %c0_i32 : i32
  }
  func.func @transform_1(%arg0: i32) -> i32 {
    %c0_i32 = arith.constant 0 : i32
    %c0_i32_0 = arith.constant 0 : i32
    return %c0_i32 : i32
  }
  func.func @transform_2(%arg0: i32) -> (i32, i32) {
    %c0_i32 = arith.constant 0 : i32
    %c0_i32_0 = arith.constant 0 : i32
    %c0_i32_1 = arith.constant 0 : i32
    return %c0_i32, %c0_i32_0 : i32, i32
  }
  func.func @transform_3(%arg0: i32) -> (i32, i32) {
    %sub3A = arith.constant 6 : i32
    %sub3A_0 = arith.subi %arg0, %sub3A : i32
    %jit3A = arith.constant 0 : i32
    %jit3A_1 = arith.constant 1 : i32
    %max3A = arith.maxsi %jit3A, %sub3A_0 : i32
    %min3A = arith.minsi %jit3A_1, %max3A : i32
    %c0_i32 = arith.constant 0 : i32
    %c0_i32_2 = arith.constant 0 : i32
    return %c0_i32, %min3A : i32, i32
  }
  func.func @transform_4(%arg0: i32) -> (i32, i32) {
    %min3A = arith.constant 7 : i32
    %min3A_0 = arith.minsi %arg0, %min3A : i32
    %c0_i32 = arith.constant 0 : i32
    %c0_i32_1 = arith.constant 0 : i32
    return %min3A_0, %c0_i32 : i32, i32
  }
  func.func @transform_5(%arg0: i32) -> (i32, i32) {
    %min3A = arith.constant 7 : i32
    %min3A_0 = arith.minsi %arg0, %min3A : i32
    %c0_i32 = arith.constant 0 : i32
    %c0_i32_1 = arith.constant 0 : i32
    return %min3A_0, %c0_i32 : i32, i32
  }
  func.func @transform_6(%arg0: i32) -> (i32, i32, i32) {
    %min3A = arith.constant 7 : i32
    %min3A_0 = arith.minsi %arg0, %min3A : i32
    %c0_i32 = arith.constant 0 : i32
    %c0_i32_1 = arith.constant 0 : i32
    %c0_i32_2 = arith.constant 0 : i32
    return %min3A_0, %c0_i32, %c0_i32_1 : i32, i32, i32
  }
  func.func @transform_7(%arg0: i32) -> (i32, i32, i32) {
    %min3A = arith.constant 7 : i32
    %min3A_0 = arith.minsi %arg0, %min3A : i32
    %c0_i32 = arith.constant 0 : i32
    %c0_i32_1 = arith.constant 0 : i32
    %c0_i32_2 = arith.constant 0 : i32
    return %min3A_0, %c0_i32, %c0_i32_1 : i32, i32, i32
  }
  func.func @transform_8(%arg0: i32) -> (i32, i32) {
    %sub3A = arith.constant 8 : i32
    %sub3A_0 = arith.subi %arg0, %sub3A : i32
    %jit3A = arith.constant 0 : i32
    %jit3A_1 = arith.constant 3 : i32
    %max3A = arith.maxsi %jit3A, %sub3A_0 : i32
    %min3A = arith.minsi %jit3A_1, %max3A : i32
    %c0_i32 = arith.constant 0 : i32
    %c0_i32_2 = arith.constant 0 : i32
    return %min3A, %c0_i32 : i32, i32
  }
  func.func @transform_9(%arg0: i32) -> (i32, i32, i32) {
    %sub3A = arith.constant 8 : i32
    %sub3A_0 = arith.subi %arg0, %sub3A : i32
    %jit3A = arith.constant 0 : i32
    %jit3A_1 = arith.constant 3 : i32
    %max3A = arith.maxsi %jit3A, %sub3A_0 : i32
    %min3A = arith.minsi %jit3A_1, %max3A : i32
    %c0_i32 = arith.constant 0 : i32
    %c0_i32_2 = arith.constant 0 : i32
    %c0_i32_3 = arith.constant 0 : i32
    return %min3A, %c0_i32, %c0_i32_2 : i32, i32, i32
  }
  func.func @transform_10(%arg0: i32) -> (i32, i32) {
    %sub3A = arith.constant 8 : i32
    %sub3A_0 = arith.subi %arg0, %sub3A : i32
    %jit3A = arith.constant 0 : i32
    %jit3A_1 = arith.constant 3 : i32
    %max3A = arith.maxsi %jit3A, %sub3A_0 : i32
    %min3A = arith.minsi %jit3A_1, %max3A : i32
    %c0_i32 = arith.constant 0 : i32
    %c0_i32_2 = arith.constant 0 : i32
    return %c0_i32, %min3A : i32, i32
  }
  func.func @transform_11(%arg0: i32) -> (i32, i32) {
    %c0_i32 = arith.constant 0 : i32
    %c0_i32_0 = arith.constant 0 : i32
    %c0_i32_1 = arith.constant 0 : i32
    return %c0_i32, %c0_i32_0 : i32, i32
  }
  func.func @transform_12(%arg0: i32) -> (i32, i32) {
    %c0_i32 = arith.constant 0 : i32
    %c0_i32_0 = arith.constant 0 : i32
    %c0_i32_1 = arith.constant 0 : i32
    return %c0_i32, %c0_i32_0 : i32, i32
  }
  func.func @transform_13(%arg0: i32) -> (i32, i32) {
    %c0_i32 = arith.constant 0 : i32
    %c0_i32_0 = arith.constant 0 : i32
    %c0_i32_1 = arith.constant 0 : i32
    return %c0_i32, %c0_i32_0 : i32, i32
  }
  func.func @transform_14(%arg0: i32) -> (i32, i32) {
    %c0_i32 = arith.constant 0 : i32
    %c0_i32_0 = arith.constant 0 : i32
    %c0_i32_1 = arith.constant 0 : i32
    return %c0_i32, %c0_i32_0 : i32, i32
  }
  func.func @transform_15(%arg0: i32) -> (i32, i32, i32) {
    %c0_i32 = arith.constant 0 : i32
    %c0_i32_0 = arith.constant 0 : i32
    %c0_i32_1 = arith.constant 0 : i32
    %c0_i32_2 = arith.constant 0 : i32
    return %c0_i32, %c0_i32_0, %c0_i32_1 : i32, i32, i32
  }
}

module attributes {stable_mosaic.version = 14 : i64} {
  func.func @_sample_body(%arg0: memref<1024x50xf32, #tpu.memory_space<vmem>>, %arg1: memref<1024x50xi32, #tpu.memory_space<vmem>>, %arg2: memref<1024x50xi32, #tpu.memory_space<vmem>>, %arg3: memref<1024x50xf32, #tpu.memory_space<vmem>>, %arg4: memref<1024xf32, #tpu.memory_space<vmem>>, %arg5: memref<1024xi32, #tpu.memory_space<vmem>>, %arg6: memref<1024x50xf32, #tpu.memory_space<vmem>>, %arg7: memref<1024xi32, #tpu.memory_space<vmem>>, %arg8: memref<1024xi32, #tpu.memory_space<vmem>>) attributes {dimension_semantics = [], scalar_prefetch = 0 : i64, scratch_operands = 0 : i64, tpu.core_type = #tpu.core_type<tc>} {
    %get3A = arith.constant 0 : index
    %get3A_0 = arith.constant 0 : index
    %get3A_1 = vector.load %arg1[%get3A, %get3A_0] : memref<1024x50xi32, #tpu.memory_space<vmem>>, vector<1024x50xi32>
    %eq3A = arith.constant 0 : i32
    %eq3A_2 = vector.broadcast %eq3A : i32 to vector<1024x50xi32>
    %eq3A_3 = arith.cmpi eq, %get3A_1, %eq3A_2 : vector<1024x50xi32>
    %get3A_4 = arith.constant 0 : index
    %get3A_5 = arith.constant 0 : index
    %get3A_6 = vector.load %arg0[%get3A_4, %get3A_5] : memref<1024x50xf32, #tpu.memory_space<vmem>>, vector<1024x50xf32>
    %jit3A = arith.constant -9.999900e+04 : f32
    %broadcast_in_dim3A = vector.broadcast %jit3A : f32 to vector<1024x50xf32>
    %select_n3A = arith.select %eq3A_3, %broadcast_in_dim3A, %get3A_6 : vector<1024x50xi1>, vector<1024x50xf32>
    %get3A_7 = arith.constant 0 : index
    %get3A_8 = arith.constant 0 : index
    %get3A_9 = vector.load %arg3[%get3A_7, %get3A_8] : memref<1024x50xf32, #tpu.memory_space<vmem>>, vector<1024x50xf32>
    %add3A = arith.addf %select_n3A, %get3A_9 : vector<1024x50xf32>
    %reduce_max3A = arith.constant dense<0xFF800000> : vector<1024xf32>
    %reduce_max3A_10 = vector.multi_reduction <maximumf>, %add3A, %reduce_max3A [1] : vector<1024x50xf32> to vector<1024xf32>
    %broadcast_in_dim3A_11 = vector.shape_cast %reduce_max3A_10 : vector<1024xf32> to vector<1024x1xf32>
    %iota3A = tpu.iota {dimensions = array<i32: 1>} : vector<1024x50xi32>
    %eq3A_12 = vector.broadcast %broadcast_in_dim3A_11 : vector<1024x1xf32> to vector<1024x50xf32>
    %eq3A_13 = arith.cmpf oeq, %add3A, %eq3A_12 : vector<1024x50xf32>
    %jit3A_14 = arith.constant 50 : i32
    %broadcast_in_dim3A_15 = vector.broadcast %jit3A_14 : i32 to vector<1024x50xi32>
    %select_n3A_16 = arith.select %eq3A_13, %iota3A, %broadcast_in_dim3A_15 : vector<1024x50xi1>, vector<1024x50xi32>
    %reduce_min3A = arith.constant dense<2147483647> : vector<1024xi32>
    %reduce_min3A_17 = vector.multi_reduction <minsi>, %select_n3A_16, %reduce_min3A [1] : vector<1024x50xi32> to vector<1024xi32>
    %broadcast_in_dim3A_18 = vector.shape_cast %reduce_min3A_17 : vector<1024xi32> to vector<1024x1xi32>
    %reduce_max3A_19 = arith.constant dense<0xFF800000> : vector<1024xf32>
    %reduce_max3A_20 = vector.multi_reduction <maximumf>, %select_n3A, %reduce_max3A_19 [1] : vector<1024x50xf32> to vector<1024xf32>
    %broadcast_in_dim3A_21 = vector.shape_cast %reduce_max3A_20 : vector<1024xf32> to vector<1024x1xf32>
    %sub3A = vector.broadcast %broadcast_in_dim3A_21 : vector<1024x1xf32> to vector<1024x50xf32>
    %sub3A_22 = arith.subf %select_n3A, %sub3A : vector<1024x50xf32>
    %exp3A = math.exp %sub3A_22 : vector<1024x50xf32>
    %reduce_sum3A = arith.constant dense<0.000000e+00> : vector<1024xf32>
    %reduce_sum3A_23 = vector.multi_reduction <add>, %exp3A, %reduce_sum3A [1] : vector<1024x50xf32> to vector<1024xf32>
    %broadcast_in_dim3A_24 = vector.shape_cast %reduce_sum3A_23 : vector<1024xf32> to vector<1024x1xf32>
    %log3A = math.log %broadcast_in_dim3A_24 : vector<1024x1xf32>
    %add3A_25 = arith.addf %broadcast_in_dim3A_21, %log3A : vector<1024x1xf32>
    %sub3A_26 = vector.broadcast %add3A_25 : vector<1024x1xf32> to vector<1024x50xf32>
    %sub3A_27 = arith.subf %select_n3A, %sub3A_26 : vector<1024x50xf32>
    %eq3A_28 = vector.broadcast %broadcast_in_dim3A_18 : vector<1024x1xi32> to vector<1024x50xi32>
    %eq3A_29 = arith.cmpi eq, %iota3A, %eq3A_28 : vector<1024x50xi32>
    %jit3A_30 = arith.constant 0.000000e+00 : f32
    %broadcast_in_dim3A_31 = vector.broadcast %jit3A_30 : f32 to vector<1024x50xf32>
    %select_n3A_32 = arith.select %eq3A_29, %sub3A_27, %broadcast_in_dim3A_31 : vector<1024x50xi1>, vector<1024x50xf32>
    %reduce_sum3A_33 = arith.constant dense<0.000000e+00> : vector<1024xf32>
    %reduce_sum3A_34 = vector.multi_reduction <add>, %select_n3A_32, %reduce_sum3A_33 [1] : vector<1024x50xf32> to vector<1024xf32>
    %neg3A = arith.constant 0.000000e+00 : f32
    %neg3A_35 = vector.broadcast %neg3A : f32 to vector<1024xf32>
    %neg3A_36 = arith.subf %neg3A_35, %reduce_sum3A_34 : vector<1024xf32>
    %swap3A = arith.constant 0 : index
    %swap3A_37 = vector.load %arg4[%swap3A] : memref<1024xf32, #tpu.memory_space<vmem>>, vector<1024xf32>
    tpu.vector_store %arg4[%swap3A], %neg3A_36 {strides = array<i32>} : memref<1024xf32, #tpu.memory_space<vmem>>, vector<1024xf32>,
    %squeeze3A = vector.shape_cast %broadcast_in_dim3A_18 : vector<1024x1xi32> to vector<1024xi32>
    %swap3A_38 = arith.constant 0 : index
    %swap3A_39 = vector.load %arg5[%swap3A_38] : memref<1024xi32, #tpu.memory_space<vmem>>, vector<1024xi32>
    tpu.vector_store %arg5[%swap3A_38], %squeeze3A {strides = array<i32>} : memref<1024xi32, #tpu.memory_space<vmem>>, vector<1024xi32>,
    %swap3A_40 = arith.constant 0 : index
    %swap3A_41 = arith.constant 0 : index
    %swap3A_42 = vector.load %arg6[%swap3A_40, %swap3A_41] : memref<1024x50xf32, #tpu.memory_space<vmem>>, vector<1024x50xf32>
    tpu.vector_store %arg6[%swap3A_40, %swap3A_41], %sub3A_27 {strides = array<i32>} : memref<1024x50xf32, #tpu.memory_space<vmem>>, vector<1024x50xf32>,
    %get3A_43 = arith.constant 0 : index
    %get3A_44 = arith.constant 0 : index
    %get3A_45 = vector.load %arg2[%get3A_43, %get3A_44] : memref<1024x50xi32, #tpu.memory_space<vmem>>, vector<1024x50xi32>
    %jit3A_46 = arith.constant 0 : i32
    %broadcast_in_dim3A_47 = vector.broadcast %jit3A_46 : i32 to vector<1024x50xi32>
    %select_n3A_48 = arith.select %eq3A_29, %get3A_45, %broadcast_in_dim3A_47 : vector<1024x50xi1>, vector<1024x50xi32>
    %reduce_sum3A_49 = arith.constant dense<0> : vector<1024xi32>
    %reduce_sum3A_50 = vector.multi_reduction <add>, %select_n3A_48, %reduce_sum3A_49 [1] : vector<1024x50xi32> to vector<1024xi32>
    %swap3A_51 = arith.constant 0 : index
    %swap3A_52 = vector.load %arg7[%swap3A_51] : memref<1024xi32, #tpu.memory_space<vmem>>, vector<1024xi32>
    tpu.vector_store %arg7[%swap3A_51], %reduce_sum3A_50 {strides = array<i32>} : memref<1024xi32, #tpu.memory_space<vmem>>, vector<1024xi32>,
    %jit3A_53 = arith.constant 0 : i32
    %broadcast_in_dim3A_54 = vector.broadcast %jit3A_53 : i32 to vector<1024x50xi32>
    %select_n3A_55 = arith.select %eq3A_29, %get3A_1, %broadcast_in_dim3A_54 : vector<1024x50xi1>, vector<1024x50xi32>
    %reduce_sum3A_56 = arith.constant dense<0> : vector<1024xi32>
    %reduce_sum3A_57 = vector.multi_reduction <add>, %select_n3A_55, %reduce_sum3A_56 [1] : vector<1024x50xi32> to vector<1024xi32>
    %swap3A_58 = arith.constant 0 : index
    %swap3A_59 = vector.load %arg8[%swap3A_58] : memref<1024xi32, #tpu.memory_space<vmem>>, vector<1024xi32>
    tpu.vector_store %arg8[%swap3A_58], %reduce_sum3A_57 {strides = array<i32>} : memref<1024xi32, #tpu.memory_space<vmem>>, vector<1024xi32>,
    return
  }
}

</mosaic_0001>

<sc_bundles>
// kernel: kernel.5.cloned.1.call-start
scs
__scs_entry_jumppad:
0x0: {  	(pc) =	sbr.rel $0x88, $3  }
0x1: {  	(tag) =	ssettag $0x0;
	lr =	simm.s32 $0x1  }
0x2: {  	[smem:$0x3F92] =	sst lr;
	_ =	strace $0xD0000000  }
0x3: {  	_ = 	snop  }
0x4: {  	_ = 	snop  }
0x5: {  	_ = 	snop  }
0x6: {  	_ = 	snop  }
0x7: {  	_ = 	snop  }
__scs_overlays_trampoline_lowered:
0x8: {  	[smem:$0x3FA1] =	sst s0  }
0x9: {  	[smem:$0x3FA2] =	sst s1  }
0xa: {  	[smem:$0x3FA3] =	sst s2  }
0xb: {  	[smem:$0x3FA4] =	sst s3  }
0xc: {  	[smem:$0x3FA5] =	sst s4  }
0xd: {  	[smem:$0x3FA6] =	sst s5  }
0xe: {  	[smem:$0x3FA7] =	sst s6  }
0xf: {  	[smem:$0x3FA8] =	sst s7  }
0x10: {  	[smem:$0x3FA9] =	sst s8  }
0x11: {  	[smem:$0x3FAA] =	sst s9;
	s0 =	simm.s32 @!p0 $0x0  }
0x12: {  	s1 =	sld [smem:$0x3F90];
	s0 =	simm.s32 @p0 $0x1  }
0x13: {  	[smem:$0x3FAB] =	sst s0;
	s0 =	simm.s32 @!p1 $0x0  }
0x14: {  	s2 =	sld [smem:$0x3F8F];
	s0 =	simm.s32 @p1 $0x1  }
0x15: {  	[smem:$0x3FAC] =	sst s0;
	s0 =	simm.s32 @!p2 $0x0  }
0x16: {  	s3 =	sld [smem:$0x3FDB];
	s0 =	simm.s32 @p2 $0x1  }
0x17: {  	s4 =	simm.s32 $0x1BF5;
	[smem:$0x3FAE] =	sst s0  }
0x18: {  	s0 =	sld [smem:$0x3F91];
	_ =	swait.ge [sflag:s4], $0x0  }
0x19: {  	s7 =	sld [smem:$0x3F92]  }
0x1a: {  	s8 =	sadd.s32 $0xFFFFE003, lr  }
0x1b: {  	s9 =	sadd.s32 $0xFFFFFEF7, lr;
	s5 =	simm.s32 $0xFFFFFFFF;
	p2 =	slt.u32 s8, $0xFFFFF086  }
0x1c: {  	p1 =	slt.u32 s9, $0xF7A;
	s5 =	simm.s32 @!p2 $0x0  }
0x1d: {  	s5 =	simm.s32 @p1 $0x1;
	p0 =	seq.s32 s7, s2  }
0x1e: {  	s7 =	smul.u32 @!p0 $0xF7A, s2;
	p2 =	seq.s32 @!p0 s5, $0x0  }
0x1f: {  	s9 =	smul.u32 $0xF7A, s1;
	s8 =	simm.s32 @!p0 $0x1BF5;
	p2 =	por !p2, p0  }
0x20: {  	[sflag:s8] =	ssyncset.s32 @!p0 $0xFFFFF086;
	s6 =	sadd.s32 @!p0 s3, s7;
	s7 =	simm.s32 @!p0 $0x108  }
0x21: {  	s3 =	sadd.s32 s3, s9;
	s6 =	sadd.s32 @!p0 $0x88, s6;
	s7 =	simm.s32 @p2 $0x1082  }
0x22: {  	[simem:s7], [sflag:s8] =	dma.local @!p0 [hbm:s6], $0xF7A  }
0x23: {  	s9 =	sor.u32 $0xD0000000, s2;
	s6 =	simm.s32 $0x108;
	_ =	swait.ge @!p0 [sflag:s8], $0x0  }
0x24: {  	s3 =	sadd.s32 $0x88, s3;
	s6 =	simm.s32 @!p1 $0x1082;
	[sflag:s4] =	ssyncset.s32 $0xFFFFF086  }
0x25: {  	[simem:s6], [sflag:s4] =	dma.local [hbm:s3], $0xF7A  }
0x26: {  	[smem:$0x3F92] =	sst s1;
	(tag) =	ssettag s2;
	_ =	strace s9  }
0x27: {  	s1 =	sld [smem:$0x3FA2]  }
0x28: {  	s2 =	sld [smem:$0x3FA3]  }
0x29: {  	s4 =	sld [smem:$0x3FA5]  }
0x2a: {  	p0 =	seq.s32 s5, $0x0;
	s5 =	sld [smem:$0x3FA6]  }
0x2b: {  	s6 =	sld [smem:$0x3FA7]  }
0x2c: {  	s7 =	sld [smem:$0x3FA8]  }
0x2d: {  	s3 =	simm.s32 $0x108;
	s8 =	sld [smem:$0x3FA9]  }
0x2e: {  	s3 =	simm.s32 @!p0 $0x1082;
	s9 =	sld [smem:$0x3FAA]  }
0x2f: {  	lr =	sadd.s32 s0, s3;
	s0 =	sld [smem:$0x3FA1]  }
0x30: {  	s3 =	sld [smem:$0x3FA4]  }
0x31: {  	[smem:$0x3FAD] =	sst s10  }
0x32: {  	s10 =	sld [smem:$0x3FAB];
	_ =	sdelay $0x3  }
0x33: {  	p0 =	seq.s32 s10, $0x1;
	s10 =	sld [smem:$0x3FAD];
	_ =	sdelay $0x3  }
0x34: {  	[smem:$0x3FAD] =	sst s10  }
0x35: {  	s10 =	sld [smem:$0x3FAC];
	_ =	sdelay $0x3  }
0x36: {  	p1 =	seq.s32 s10, $0x1;
	s10 =	sld [smem:$0x3FAD];
	_ =	sdelay $0x3  }
0x37: {  	[smem:$0x3FAD] =	sst s10  }
0x38: {  	s10 =	sld [smem:$0x3FAE]  }
0x39: {  	_ = 	snop;
	(pc) =	sbr.ind lr, $3  }
0x3a: {  	_ = 	snop  }
0x3b: {  	_ = 	snop  }
0x3c: {  	p2 =	seq.s32 s10, $0x1;
	s10 =	sld [smem:$0x3FAD]  }
0x3d: {  	_ =	shalt  }
0x3e: {  	_ =	shalt  }
0x3f: {  	_ =	shalt  }
0x40: {  	_ =	shalt  }
0x41: {  	_ =	shalt  }
0x42: {  	_ =	shalt  }
0x43: {  	_ =	shalt  }
0x44: {  	_ =	shalt  }
0x45: {  	_ =	shalt  }
0x46: {  	_ =	shalt  }
0x47: {  	_ =	shalt  }
0x48: {  	_ =	shalt  }
0x49: {  	_ =	shalt  }
0x4a: {  	_ =	shalt  }
0x4b: {  	_ =	shalt  }
0x4c: {  	_ =	shalt  }
0x4d: {  	_ =	shalt  }
0x4e: {  	_ =	shalt  }
0x4f: {  	_ =	shalt  }
0x50: {  	_ =	shalt  }
0x51: {  	_ =	shalt  }
0x52: {  	_ =	shalt  }
0x53: {  	_ =	shalt  }
0x54: {  	_ =	shalt  }
0x55: {  	_ =	shalt  }
0x56: {  	_ =	shalt  }
0x57: {  	_ =	shalt  }
0x58: {  	_ =	shalt  }
0x59: {  	_ =	shalt  }
0x5a: {  	_ =	shalt  }
0x5b: {  	_ =	shalt  }
0x5c: {  	_ =	shalt  }
0x5d: {  	_ =	shalt  }
0x5e: {  	_ =	shalt  }
0x5f: {  	_ =	shalt  }
0x60: {  	_ =	shalt  }
0x61: {  	_ =	shalt  }
0x62: {  	_ =	shalt  }
0x63: {  	_ =	shalt  }
0x64: {  	_ =	shalt  }
0x65: {  	_ =	shalt  }
0x66: {  	_ =	shalt  }
0x67: {  	_ =	shalt  }
0x68: {  	_ =	shalt  }
0x69: {  	_ =	shalt  }
0x6a: {  	_ =	shalt  }
0x6b: {  	_ =	shalt  }
0x6c: {  	_ =	shalt  }
0x6d: {  	_ =	shalt  }
0x6e: {  	_ =	shalt  }
0x6f: {  	_ =	shalt  }
0x70: {  	_ =	shalt  }
0x71: {  	_ =	shalt  }
0x72: {  	_ =	shalt  }
0x73: {  	_ =	shalt  }
0x74: {  	_ =	shalt  }
0x75: {  	_ =	shalt  }
0x76: {  	_ =	shalt  }
0x77: {  	_ =	shalt  }
0x78: {  	_ =	shalt  }
0x79: {  	_ =	shalt  }
0x7a: {  	_ =	shalt  }
0x7b: {  	_ =	shalt  }
0x7c: {  	_ =	shalt  }
0x7d: {  	_ =	shalt  }
0x7e: {  	_ =	shalt  }
0x7f: {  	_ =	shalt  }
0x80: {  	_ =	shalt  }
0x81: {  	_ =	shalt  }
0x82: {  	_ =	shalt  }
0x83: {  	_ =	shalt  }
0x84: {  	_ =	shalt  }
0x85: {  	_ =	shalt  }
0x86: {  	_ =	shalt  }
0x87: {  	_ =	shalt  }
.Lfunc_end0:
.L_simem_size_0:
called_computation_lowered:
.L_overlay_start_0:
0x88: {  	s2 =	sld [smem:$0x3FD9]  }
0x89: {  	s3 =	sld [smem:$0x3FFE];
	_ =	sdelay $0x1  }
0x8a: {  	s1 =	srdreg.scid  }
0x8b: {  	s0 =	sand.u32 $0x1, s1  }
0x8c: {  	s14 =	sshll.u32 s0, $0xA;
	s2 =	sadd.s32 s3, s2  }
0x8d: {  	s2 =	sadd.s32 s2, s14  }
0x8e: {  	[smem:$0x3FB9] =	sst s2  }
0x8f: {  	_ = 	snop  }
0x90: {  	s2 =	sld [smem:$0x3FD0];
	_ =	sdelay $0x2  }
0x91: {  	s15 =	simm.s32 $0xA;
	s4 =	simm.s32 $0x10  }
0x92: {  	[smem:s4], [sflag:s15] =	dma.local [hbm:s2], $0x1  }
0x93: {  	_ =	swait.eq [sflag:s15], $0x1  }
0x94: {  	[sflag:s15] =	ssyncset.done $0x0  }
0x95: {  	[sflag:s15] =	ssyncadd.s32 $0xFFFFFFFF  }
0x96: {  	s16 =	sld [smem:$0x13];
	(tm) =	ssettm $0x1  }
0x97: {  	s17 =	sld [smem:$0x3FFB];
	_ =	sdelay $0x3  }
0x98: {  	_ =	strace s17  }
0x99: {  	s3 =	sld [smem:$0x3FFC];
	_ =	sdelay $0x3  }
0x9a: {  	_ =	strace s3  }
0x9b: {  	s3 =	sld [smem:$0x3FFD];
	_ =	sdelay $0x3  }
0x9c: {  	_ =	strace s3  }
0x9d: {  	_ =	strace $0x8FFFFFFF  }
0x9e: {  	s18 =	sld [smem:$0x3FDB];
	_ =	sdelay $0x1  }
0x9f: {  	s19 =	simm.s32 $_scs_section_size  }
0xa0: {  	s5 =	simm.s32 $_size__tile_overlayer_lowered;
	s6 =	simm.s32 $_tile_overlayer_lowered  }
0xa1: {  	s22 =	simm.s32 $0x1BFF;
	s21 =	sshll.u32 s6, $0x1;
	s3 =	sadd.s32 s19, s18  }
0xa2: {  	s7 =	simm.s32 $0x0;
	s20 =	sshll.u32 s5, $0x1;
	s5 =	sadd.s32 s21, s3  }
0xa3: {  	[timem:s7], [sflag:s22] =	dma.local [hbm:s5], s20  }
0xa4: {  	_ =	swait.ge [sflag:s22], s20  }
0xa5: {  	s4 =	ssub.s32 $0x0, s20;
	[sflag:s22] =	ssyncset.done $0x0  }
0xa6: {  	[sflag:s22] =	ssyncadd.s32 s4;
	_ =	sdelay $0x1  }
0xa7: {  	s23 =	simm.s32 $0x1B8B  }
0xa8: {  	_ =	swait.ge [sflag:s23], $0x1  }
0xa9: {  	[sflag:s23] =	ssyncset.done $0x0  }
0xaa: {  	s25 =	simm.s32 $0x1B8E;
	s24 =	sld [smem:$0x3FFE];
	[sflag:s23] =	ssyncadd.s32 $0xFFFFFFFF  }
0xab: {  	s26 =	simm.s32 $execute0_lowered;
	[smem:$0x3FD2] =	sst s25  }
0xac: {  	s5 =	sshll.u32 s26, $0x1;
	_ =	strace $0x80000046;
	[dreg:$0x1] =	wrdreg $0xFFFFFFFF  }
0xad: {  	s28 =	simm.s32 $_size_execute0_lowered;
	s3 =	sadd.s32 s3, s5;
	[dreg:$0x0] =	wrdreg $0x0  }
0xae: {  	s5 =	sshll.u32 s28, $0x1;
	[dreg:$0x2] =	wrdreg s3  }
0xaf: {  	[dreg:$0x3] =	wrdreg s5  }
0xb0: {  	[dreg:$0x4] =	wrdreg $0xC0  }
0xb1: {  	_ =	task [dreg:s7], $0x5FFFF  }
0xb2: {  	[dreg:$0x1] =	wrdreg $0xFFFFFFFF  }
0xb3: {  	[dreg:$0x0] =	wrdreg $0x60  }
0xb4: {  	[dreg:$0x2] =	wrdreg s24  }
0xb5: {  	[dreg:$0x3] =	wrdreg s16  }
0xb6: {  	[dreg:$0x4] =	wrdreg $0x9  }
0xb7: {  	_ =	task.clear_ibuf [dreg:s7], $0x5FFFF;
	_ =	strace $0x90000046  }
0xb8: {  	s29 =	simm.s32 $0x9;
	_ =	strace $0x80000048  }
0xb9: {  	_ =	swait.ge [sflag:s29], $0x1  }
0xba: {  	[sflag:s29] =	ssyncadd.s32 $0xFFFFFFFF  }
0xbb: {  	_ =	strace $0x90000048  }
0xbc: {  	_ =	sfence  }
0xbd: {  	s30 =	sld [smem:$0x0];
	_ =	sdelay $0x2  }
0xbe: {  	s31 =	sshll.u32 s1, $0xD;
	s1 =	sshrl.u32 s1, $0x2  }
0xbf: {  	s3 =	sand.u32 $0x4000, s31;
	s1 =	sadd.s32 s1, s30  }
0xc0: {  	s0 =	sor.u32 s3, s0;
	s1 =	sshll.u32 s1, $0x11  }
0xc1: {  	s0 =	sor.u32 s1, s0  }
0xc2: {  	s0 =	sadd.s32 $0x8F2B, s0  }
0xc3: {  	[sflag:s0] =	ssyncadd.remote.s32 $0x1  }
0xc4: {  	_ =	sfence.sel $0xFFFF  }
0xc5: {  	[dreg:$0x0] =	wrdreg $0xFFFFFFFF;
	(pc) =	sbr.abs _section_cstart, $3  }
0xc6: {  	[dreg:$0x1] =	wrdreg $0xFFFFFFFF  }
0xc7: {  	_ =	task.clear_ibuf [dreg:s7], $0x2FFFF;
	_ =	strace $0x9FFFFFFF  }
0xc8: {  	(tm) =	ssettm $0x7FFFFFFF  }
0xc9: {  	_ =	shalt  }
tec
execute0_lowered:
.L_overlay_start_1:
0x0: {  	(tag) =	ssettag $0x1  }
0x1: {  	s0 =	rddreg [dreg:$0x0];
	s1 =	srdreg.scid  }
0x2: {  	s2 =	stileid.u32;
	s3 =	rddreg [dreg:$0x1]  }
0x3: {  	s7 =	simm.s32 $0x80;
	s26 =	simm.s32 $0x700;
	s8 =	simm.s32 $0x100  }
0x4: {  	s9 =	simm.s32 $0x780;
	s10 =	simm.s32 $0x180;
	s11 =	simm.s32 $0x800  }
0x5: {  	s12 =	simm.s32 $0x200;
	s13 =	simm.s32 $0x880;
	s14 =	simm.s32 $0x280  }
0x6: {  	s15 =	simm.s32 $0x900;
	s16 =	simm.s32 $0x300;
	s17 =	simm.s32 $0x980  }
0x7: {  	s18 =	simm.s32 $0x380;
	s19 =	simm.s32 $0xA00;
	s20 =	simm.s32 $0x400  }
0x8: {  	s21 =	simm.s32 $0xA80;
	s1 =	sand.u32 $0x1, s1;
	s4 =	sshll.u32 s2, $0x1  }
0x9: {  	s22 =	simm.s32 $0x480;
	s23 =	simm.s32 $0xB00;
	s4 =	sor.u32 s1, s4  }
0xa: {  	s24 =	simm.s32 $0x500;
	s1 =	ssub.s32 $0x2, s1;
	s4 =	smul.u32 $0xC8, s4  }
0xb: {  	s25 =	simm.s32 $0xB80;
	p0 =	por $0x0, $0x0;
	s6 =	sshrl.u32 s1, $0x1  }
0xc: {  	s28 =	simm.s32 $0xC00;
	s1 =	ssub.s32 s1, s6;
	s5 =	sadd.s32 s4, s0  }
0xd: {  	s3 =	sadd.s32 s3, s4;
	s4 =	sadd.s32 $0x20E00, s5;
	s5 =	smax.u32 s1, $0x1  }
0xe: {  	s29 =	simm.s32 $0x40;
	s2 =	simm.s32 $0x0;
	p1 =	sne.s32 s5, $0x1  }
.Ltmp0:
0xf: {  	s30 =	simm.s32 $0x600;
	[smem:$0x7FF] =	sst s2;
	(pc) =	sbr.rel @!p1 .LBB2_3-.Ltmp0, $4  }
0x10: {  	s31 =	simm.s32 $0xC80;
	_ =	strace $0x80000047;
	[dreg:$0x5] =	wrdreg s26  }
0x11: {  	s26 =	simm.s32 $0x580;
	s6 =	sadd.s32 $0xE00, s0;
	[dreg:$0x3] =	wrdreg s3  }
0x12: {  	s3 =	simm.s32 $0x2;
	[dreg:$0x4] =	wrdreg s4;
	s4 =	simm.s32 $0x680  }
0x13: {  	s1 =	sadd.s32 $0xFFFFFFFF, s5;
	s5 =	simm.s32 $0x1;
	s0 =	rddreg [dreg:$0x3]  }
0x14: {  	[tilespmem:s2], [sflag:$0x2] =	stream.linear.gather [hbm4b:s0+s2], $0x640, $0x38;
	[tilespmem:$0xD00] =	vst v63  }
0x15: {  	_ =	swait.ge [sflag:s3], $0x640  }
0x16: {  	[sflag:s3] =	ssyncset.done $0x0  }
0x17: {  	[sflag:s3] =	ssyncadd.s32 $0xFFFFF9C0  }
0x18: {  	[tilespmem:s4], [sflag:$0x1] =	stream.indirect.gather [hbm4b:s6+s7], $0x1, s2, s7, $0xb8;
	[tilespmem:$0xD00] =	vst v63  }
0x19: {  	s0 =	rddreg [dreg:$0x5]  }
0x1a: {  	[tilespmem:s0], [sflag:$0x1] =	stream.indirect.gather [hbm4b:s6+s7], $0x1, s7, s7, $0xb8;
	[tilespmem:$0xD00] =	vst v63  }
0x1b: {  	_ = 	snop  }
0x1c: {  	[tilespmem:s9], [sflag:$0x1] =	stream.indirect.gather [hbm4b:s6+s7], $0x1, s8, s7, $0xb8;
	[tilespmem:$0xD00] =	vst v63  }
0x1d: {  	_ = 	snop  }
0x1e: {  	[tilespmem:s11], [sflag:$0x1] =	stream.indirect.gather [hbm4b:s6+s7], $0x1, s10, s7, $0xb8;
	[tilespmem:$0xD00] =	vst v63  }
0x1f: {  	_ = 	snop  }
0x20: {  	[tilespmem:s13], [sflag:$0x1] =	stream.indirect.gather [hbm4b:s6+s7], $0x1, s12, s7, $0xb8;
	[tilespmem:$0xD00] =	vst v63  }
0x21: {  	_ = 	snop  }
0x22: {  	[tilespmem:s15], [sflag:$0x1] =	stream.indirect.gather [hbm4b:s6+s7], $0x1, s14, s7, $0xb8;
	[tilespmem:$0xD00] =	vst v63  }
0x23: {  	_ = 	snop  }
0x24: {  	[tilespmem:s17], [sflag:$0x1] =	stream.indirect.gather [hbm4b:s6+s7], $0x1, s16, s7, $0xb8;
	[tilespmem:$0xD00] =	vst v63  }
0x25: {  	_ = 	snop  }
0x26: {  	[tilespmem:s19], [sflag:$0x1] =	stream.indirect.gather [hbm4b:s6+s7], $0x1, s18, s7, $0xb8;
	[tilespmem:$0xD00] =	vst v63  }
0x27: {  	_ = 	snop  }
0x28: {  	[tilespmem:s21], [sflag:$0x1] =	stream.indirect.gather [hbm4b:s6+s7], $0x1, s20, s7, $0xb8;
	[tilespmem:$0xD00] =	vst v63  }
0x29: {  	_ = 	snop  }
0x2a: {  	[tilespmem:s23], [sflag:$0x1] =	stream.indirect.gather [hbm4b:s6+s7], $0x1, s22, s7, $0xb8;
	[tilespmem:$0xD00] =	vst v63  }
0x2b: {  	_ = 	snop  }
0x2c: {  	[tilespmem:s25], [sflag:$0x1] =	stream.indirect.gather [hbm4b:s6+s7], $0x1, s24, s7, $0xb8;
	[tilespmem:$0xD00] =	vst v63  }
0x2d: {  	_ = 	snop  }
0x2e: {  	[tilespmem:s28], [sflag:$0x1] =	stream.indirect.gather [hbm4b:s6+s7], $0x1, s26, s7, $0xb8;
	[tilespmem:$0xD00] =	vst v63  }
0x2f: {  	_ = 	snop  }
0x30: {  	[tilespmem:s31], [sflag:$0x1] =	stream.indirect.gather [hbm4b:s6+s29], $0x1, s30, s29, $0xb8;
	[tilespmem:$0xD00] =	vst v63  }
0x31: {  	_ =	swait.ge [sflag:s5], $0x80  }
0x32: {  	[sflag:s5] =	ssyncset.done $0x0  }
0x33: {  	[sflag:s5] =	ssyncadd.s32 $0xFFFFFF80  }
0x34: {  	_ =	swait.ge [sflag:s5], $0x80  }
0x35: {  	[sflag:s5] =	ssyncset.done $0x0  }
0x36: {  	[sflag:s5] =	ssyncadd.s32 $0xFFFFFF80  }
0x37: {  	_ =	swait.ge [sflag:s5], $0x80  }
0x38: {  	[sflag:s5] =	ssyncset.done $0x0  }
0x39: {  	[sflag:s5] =	ssyncadd.s32 $0xFFFFFF80  }
0x3a: {  	_ =	swait.ge [sflag:s5], $0x80  }
0x3b: {  	[sflag:s5] =	ssyncset.done $0x0  }
0x3c: {  	[sflag:s5] =	ssyncadd.s32 $0xFFFFFF80  }
0x3d: {  	_ =	swait.ge [sflag:s5], $0x80  }
0x3e: {  	[sflag:s5] =	ssyncset.done $0x0  }
0x3f: {  	[sflag:s5] =	ssyncadd.s32 $0xFFFFFF80  }
0x40: {  	_ =	swait.ge [sflag:s5], $0x80  }
0x41: {  	[sflag:s5] =	ssyncset.done $0x0  }
0x42: {  	[sflag:s5] =	ssyncadd.s32 $0xFFFFFF80  }
0x43: {  	_ =	swait.ge [sflag:s5], $0x80  }
0x44: {  	[sflag:s5] =	ssyncset.done $0x0  }
0x45: {  	[sflag:s5] =	ssyncadd.s32 $0xFFFFFF80  }
0x46: {  	_ =	swait.ge [sflag:s5], $0x80  }
0x47: {  	[sflag:s5] =	ssyncset.done $0x0  }
0x48: {  	[sflag:s5] =	ssyncadd.s32 $0xFFFFFF80  }
0x49: {  	_ =	swait.ge [sflag:s5], $0x80  }
0x4a: {  	[sflag:s5] =	ssyncset.done $0x0  }
0x4b: {  	[sflag:s5] =	ssyncadd.s32 $0xFFFFFF80  }
0x4c: {  	_ =	swait.ge [sflag:s5], $0x80  }
0x4d: {  	[sflag:s5] =	ssyncset.done $0x0  }
0x4e: {  	[sflag:s5] =	ssyncadd.s32 $0xFFFFFF80  }
0x4f: {  	_ =	swait.ge [sflag:s5], $0x80  }
0x50: {  	[sflag:s5] =	ssyncset.done $0x0  }
0x51: {  	[sflag:s5] =	ssyncadd.s32 $0xFFFFFF80  }
0x52: {  	_ =	swait.ge [sflag:s5], $0x80  }
0x53: {  	[sflag:s5] =	ssyncset.done $0x0  }
0x54: {  	[sflag:s5] =	ssyncadd.s32 $0xFFFFFF80  }
0x55: {  	p1 =	sne.s32 s1, $0x1;
	_ =	swait.ge [sflag:s5], $0x40  }
.Ltmp1:
0x56: {  	[sflag:s5] =	ssyncset.done $0x0;
	(pc) =	sbr.rel @!p1 .LBB2_3-.Ltmp1, $4  }
0x57: {  	s0 =	rddreg [dreg:$0x4];
	[sflag:s5] =	ssyncadd.s32 $0xFFFFFFC0  }
0x58: {  	[hbm4b:s0+s2] =	stream.linear.scatter [tilespmem:s4], [sflag:$0x2], $0x640, $0x38;
	[tilespmem:$0xD00] =	vst v63  }
0x59: {  	s1 =	sadd.s32 $0xFFFFFFFF, s1;
	_ =	swait.ge [sflag:s3], $0x640  }
0x5a: {  	p0 =	por $0x1, $0x1;
	s0 =	rddreg [dreg:$0x3];
	[sflag:s3] =	ssyncset.done $0x0  }
.LBB2_2:
0x5b: {  	[sflag:s3] =	ssyncadd.s32 $0xFFFFF9C0  }
0x5c: {  	[tilespmem:s2], [sflag:$0x2] =	stream.linear.gather [hbm4b:s0+s2], $0x640, $0x38;
	[tilespmem:$0xD00] =	vst v63  }
0x5d: {  	_ =	swait.ge [sflag:s3], $0x640  }
0x5e: {  	[sflag:s3] =	ssyncset.done $0x0  }
0x5f: {  	[sflag:s3] =	ssyncadd.s32 $0xFFFFF9C0  }
0x60: {  	[tilespmem:s4], [sflag:$0x1] =	stream.indirect.gather [hbm4b:s6+s7], $0x1, s2, s7, $0xb8;
	[tilespmem:$0xD00] =	vst v63  }
0x61: {  	s0 =	rddreg [dreg:$0x5]  }
0x62: {  	[tilespmem:s0], [sflag:$0x1] =	stream.indirect.gather [hbm4b:s6+s7], $0x1, s7, s7, $0xb8;
	[tilespmem:$0xD00] =	vst v63  }
0x63: {  	_ = 	snop  }
0x64: {  	[tilespmem:s9], [sflag:$0x1] =	stream.indirect.gather [hbm4b:s6+s7], $0x1, s8, s7, $0xb8;
	[tilespmem:$0xD00] =	vst v63  }
0x65: {  	_ = 	snop  }
0x66: {  	[tilespmem:s11], [sflag:$0x1] =	stream.indirect.gather [hbm4b:s6+s7], $0x1, s10, s7, $0xb8;
	[tilespmem:$0xD00] =	vst v63  }
0x67: {  	_ = 	snop  }
0x68: {  	[tilespmem:s13], [sflag:$0x1] =	stream.indirect.gather [hbm4b:s6+s7], $0x1, s12, s7, $0xb8;
	[tilespmem:$0xD00] =	vst v63  }
0x69: {  	_ = 	snop  }
0x6a: {  	[tilespmem:s15], [sflag:$0x1] =	stream.indirect.gather [hbm4b:s6+s7], $0x1, s14, s7, $0xb8;
	[tilespmem:$0xD00] =	vst v63  }
0x6b: {  	_ = 	snop  }
0x6c: {  	[tilespmem:s17], [sflag:$0x1] =	stream.indirect.gather [hbm4b:s6+s7], $0x1, s16, s7, $0xb8;
	[tilespmem:$0xD00] =	vst v63  }
0x6d: {  	_ = 	snop  }
0x6e: {  	[tilespmem:s19], [sflag:$0x1] =	stream.indirect.gather [hbm4b:s6+s7], $0x1, s18, s7, $0xb8;
	[tilespmem:$0xD00] =	vst v63  }
0x6f: {  	_ = 	snop  }
0x70: {  	[tilespmem:s21], [sflag:$0x1] =	stream.indirect.gather [hbm4b:s6+s7], $0x1, s20, s7, $0xb8;
	[tilespmem:$0xD00] =	vst v63  }
0x71: {  	_ = 	snop  }
0x72: {  	[tilespmem:s23], [sflag:$0x1] =	stream.indirect.gather [hbm4b:s6+s7], $0x1, s22, s7, $0xb8;
	[tilespmem:$0xD00] =	vst v63  }
0x73: {  	_ = 	snop  }
0x74: {  	[tilespmem:s25], [sflag:$0x1] =	stream.indirect.gather [hbm4b:s6+s7], $0x1, s24, s7, $0xb8;
	[tilespmem:$0xD00] =	vst v63  }
0x75: {  	_ = 	snop  }
0x76: {  	[tilespmem:s28], [sflag:$0x1] =	stream.indirect.gather [hbm4b:s6+s7], $0x1, s26, s7, $0xb8;
	[tilespmem:$0xD00] =	vst v63  }
0x77: {  	_ = 	snop  }
0x78: {  	[tilespmem:s31], [sflag:$0x1] =	stream.indirect.gather [hbm4b:s6+s29], $0x1, s30, s29, $0xb8;
	[tilespmem:$0xD00] =	vst v63  }
0x79: {  	_ =	swait.ge [sflag:s5], $0x80  }
0x7a: {  	[sflag:s5] =	ssyncset.done $0x0  }
0x7b: {  	[sflag:s5] =	ssyncadd.s32 $0xFFFFFF80  }
0x7c: {  	_ =	swait.ge [sflag:s5], $0x80  }
0x7d: {  	[sflag:s5] =	ssyncset.done $0x0  }
0x7e: {  	[sflag:s5] =	ssyncadd.s32 $0xFFFFFF80  }
0x7f: {  	_ =	swait.ge [sflag:s5], $0x80  }
0x80: {  	[sflag:s5] =	ssyncset.done $0x0  }
0x81: {  	[sflag:s5] =	ssyncadd.s32 $0xFFFFFF80  }
0x82: {  	_ =	swait.ge [sflag:s5], $0x80  }
0x83: {  	[sflag:s5] =	ssyncset.done $0x0  }
0x84: {  	[sflag:s5] =	ssyncadd.s32 $0xFFFFFF80  }
0x85: {  	_ =	swait.ge [sflag:s5], $0x80  }
0x86: {  	[sflag:s5] =	ssyncset.done $0x0  }
0x87: {  	[sflag:s5] =	ssyncadd.s32 $0xFFFFFF80  }
0x88: {  	_ =	swait.ge [sflag:s5], $0x80  }
0x89: {  	[sflag:s5] =	ssyncset.done $0x0  }
0x8a: {  	[sflag:s5] =	ssyncadd.s32 $0xFFFFFF80  }
0x8b: {  	_ =	swait.ge [sflag:s5], $0x80  }
0x8c: {  	[sflag:s5] =	ssyncset.done $0x0  }
0x8d: {  	[sflag:s5] =	ssyncadd.s32 $0xFFFFFF80  }
0x8e: {  	_ =	swait.ge [sflag:s5], $0x80  }
0x8f: {  	[sflag:s5] =	ssyncset.done $0x0  }
0x90: {  	[sflag:s5] =	ssyncadd.s32 $0xFFFFFF80  }
0x91: {  	_ =	swait.ge [sflag:s5], $0x80  }
0x92: {  	[sflag:s5] =	ssyncset.done $0x0  }
0x93: {  	[sflag:s5] =	ssyncadd.s32 $0xFFFFFF80  }
0x94: {  	_ =	swait.ge [sflag:s5], $0x80  }
0x95: {  	[sflag:s5] =	ssyncset.done $0x0  }
0x96: {  	[sflag:s5] =	ssyncadd.s32 $0xFFFFFF80  }
0x97: {  	_ =	swait.ge [sflag:s5], $0x80  }
0x98: {  	[sflag:s5] =	ssyncset.done $0x0  }
0x99: {  	[sflag:s5] =	ssyncadd.s32 $0xFFFFFF80  }
0x9a: {  	_ =	swait.ge [sflag:s5], $0x80  }
0x9b: {  	[sflag:s5] =	ssyncset.done $0x0  }
0x9c: {  	[sflag:s5] =	ssyncadd.s32 $0xFFFFFF80  }
0x9d: {  	p1 =	sne.s32 s1, $0x1;
	_ =	swait.ge [sflag:s5], $0x40  }
.Ltmp2:
0x9e: {  	[sflag:s5] =	ssyncset.done $0x0;
	(pc) =	sbr.rel @p1 .LBB2_2-.Ltmp2, $4  }
0x9f: {  	s0 =	rddreg [dreg:$0x4];
	[sflag:s5] =	ssyncadd.s32 $0xFFFFFFC0  }
0xa0: {  	[hbm4b:s0+s2] =	stream.linear.scatter [tilespmem:s4], [sflag:$0x2], $0x640, $0x38;
	[tilespmem:$0xD00] =	vst v63  }
0xa1: {  	_ =	swait.ge [sflag:s3], $0x640  }
0xa2: {  	s1 =	sadd.s32 $0xFFFFFFFF, s1;
	s0 =	rddreg [dreg:$0x3];
	[sflag:s3] =	ssyncset.done $0x0  }
.LBB2_3:
0xa3: {  	[sflag:s3] =	ssyncadd.s32 @p0 $0xFFFFF9C0  }
0xa4: {  	[tilespmem:s2], [sflag:$0x2] =	stream.linear.gather [hbm4b:s0+s2], $0x640, $0x38;
	[tilespmem:$0xD00] =	vst v63  }
0xa5: {  	_ =	swait.ge [sflag:s3], $0x640  }
0xa6: {  	[sflag:s3] =	ssyncset.done $0x0  }
0xa7: {  	[sflag:s3] =	ssyncadd.s32 $0xFFFFF9C0  }
0xa8: {  	[tilespmem:s4], [sflag:$0x1] =	stream.indirect.gather [hbm4b:s6+s7], $0x1, s2, s7, $0xb8;
	[tilespmem:$0xD00] =	vst v63  }
0xa9: {  	s1 =	rddreg [dreg:$0x5]  }
0xaa: {  	[tilespmem:s1], [sflag:$0x1] =	stream.indirect.gather [hbm4b:s6+s7], $0x1, s7, s7, $0xb8;
	[tilespmem:$0xD00] =	vst v63  }
0xab: {  	_ = 	snop  }
0xac: {  	[tilespmem:s9], [sflag:$0x1] =	stream.indirect.gather [hbm4b:s6+s7], $0x1, s8, s7, $0xb8;
	[tilespmem:$0xD00] =	vst v63  }
0xad: {  	_ = 	snop  }
0xae: {  	[tilespmem:s11], [sflag:$0x1] =	stream.indirect.gather [hbm4b:s6+s7], $0x1, s10, s7, $0xb8;
	[tilespmem:$0xD00] =	vst v63  }
0xaf: {  	_ = 	snop  }
0xb0: {  	[tilespmem:s13], [sflag:$0x1] =	stream.indirect.gather [hbm4b:s6+s7], $0x1, s12, s7, $0xb8;
	[tilespmem:$0xD00] =	vst v63  }
0xb1: {  	_ = 	snop  }
0xb2: {  	[tilespmem:s15], [sflag:$0x1] =	stream.indirect.gather [hbm4b:s6+s7], $0x1, s14, s7, $0xb8;
	[tilespmem:$0xD00] =	vst v63  }
0xb3: {  	_ = 	snop  }
0xb4: {  	[tilespmem:s17], [sflag:$0x1] =	stream.indirect.gather [hbm4b:s6+s7], $0x1, s16, s7, $0xb8;
	[tilespmem:$0xD00] =	vst v63  }
0xb5: {  	_ = 	snop  }
0xb6: {  	[tilespmem:s19], [sflag:$0x1] =	stream.indirect.gather [hbm4b:s6+s7], $0x1, s18, s7, $0xb8;
	[tilespmem:$0xD00] =	vst v63  }
0xb7: {  	_ = 	snop  }
0xb8: {  	[tilespmem:s21], [sflag:$0x1] =	stream.indirect.gather [hbm4b:s6+s7], $0x1, s20, s7, $0xb8;
	[tilespmem:$0xD00] =	vst v63  }
0xb9: {  	_ = 	snop  }
0xba: {  	[tilespmem:s23], [sflag:$0x1] =	stream.indirect.gather [hbm4b:s6+s7], $0x1, s22, s7, $0xb8;
	[tilespmem:$0xD00] =	vst v63  }
0xbb: {  	_ = 	snop  }
0xbc: {  	[tilespmem:s25], [sflag:$0x1] =	stream.indirect.gather [hbm4b:s6+s7], $0x1, s24, s7, $0xb8;
	[tilespmem:$0xD00] =	vst v63  }
0xbd: {  	_ = 	snop  }
0xbe: {  	[tilespmem:s28], [sflag:$0x1] =	stream.indirect.gather [hbm4b:s6+s7], $0x1, s26, s7, $0xb8;
	[tilespmem:$0xD00] =	vst v63  }
0xbf: {  	_ = 	snop  }
0xc0: {  	[tilespmem:s31], [sflag:$0x1] =	stream.indirect.gather [hbm4b:s6+s29], $0x1, s30, s29, $0xb8;
	[tilespmem:$0xD00] =	vst v63  }
0xc1: {  	_ =	swait.ge [sflag:s5], $0x80  }
0xc2: {  	[sflag:s5] =	ssyncset.done $0x0  }
0xc3: {  	[sflag:s5] =	ssyncadd.s32 $0xFFFFFF80  }
0xc4: {  	_ =	swait.ge [sflag:s5], $0x80  }
0xc5: {  	[sflag:s5] =	ssyncset.done $0x0  }
0xc6: {  	[sflag:s5] =	ssyncadd.s32 $0xFFFFFF80  }
0xc7: {  	_ =	swait.ge [sflag:s5], $0x80  }
0xc8: {  	[sflag:s5] =	ssyncset.done $0x0  }
0xc9: {  	[sflag:s5] =	ssyncadd.s32 $0xFFFFFF80  }
0xca: {  	_ =	swait.ge [sflag:s5], $0x80  }
0xcb: {  	[sflag:s5] =	ssyncset.done $0x0  }
0xcc: {  	[sflag:s5] =	ssyncadd.s32 $0xFFFFFF80  }
0xcd: {  	_ =	swait.ge [sflag:s5], $0x80  }
0xce: {  	[sflag:s5] =	ssyncset.done $0x0  }
0xcf: {  	[sflag:s5] =	ssyncadd.s32 $0xFFFFFF80  }
0xd0: {  	_ =	swait.ge [sflag:s5], $0x80  }
0xd1: {  	[sflag:s5] =	ssyncset.done $0x0  }
0xd2: {  	[sflag:s5] =	ssyncadd.s32 $0xFFFFFF80  }
0xd3: {  	_ =	swait.ge [sflag:s5], $0x80  }
0xd4: {  	[sflag:s5] =	ssyncset.done $0x0  }
0xd5: {  	[sflag:s5] =	ssyncadd.s32 $0xFFFFFF80  }
0xd6: {  	_ =	swait.ge [sflag:s5], $0x80  }
0xd7: {  	[sflag:s5] =	ssyncset.done $0x0  }
0xd8: {  	[sflag:s5] =	ssyncadd.s32 $0xFFFFFF80  }
0xd9: {  	_ =	swait.ge [sflag:s5], $0x80  }
0xda: {  	[sflag:s5] =	ssyncset.done $0x0  }
0xdb: {  	[sflag:s5] =	ssyncadd.s32 $0xFFFFFF80  }
0xdc: {  	_ =	swait.ge [sflag:s5], $0x80  }
0xdd: {  	[sflag:s5] =	ssyncset.done $0x0  }
0xde: {  	[sflag:s5] =	ssyncadd.s32 $0xFFFFFF80  }
0xdf: {  	_ =	swait.ge [sflag:s5], $0x80  }
0xe0: {  	[sflag:s5] =	ssyncset.done $0x0  }
0xe1: {  	[sflag:s5] =	ssyncadd.s32 $0xFFFFFF80  }
0xe2: {  	_ =	swait.ge [sflag:s5], $0x80  }
0xe3: {  	[sflag:s5] =	ssyncset.done $0x0  }
0xe4: {  	[sflag:s5] =	ssyncadd.s32 $0xFFFFFF80  }
0xe5: {  	_ =	swait.ge [sflag:s5], $0x40  }
0xe6: {  	[sflag:s5] =	ssyncset.done $0x0  }
0xe7: {  	s30 =	rddreg [dreg:$0x4];
	[sflag:s5] =	ssyncadd.s32 $0xFFFFFFC0  }
0xe8: {  	[hbm4b:s30+s2] =	stream.linear.scatter [tilespmem:s4], [sflag:$0x2], $0x640, $0x38;
	[tilespmem:$0xD00] =	vst v63  }
0xe9: {  	_ =	swait.ge [sflag:s3], $0x640  }
0xea: {  	[sflag:s3] =	ssyncset.done $0x0  }
0xeb: {  	[sflag:s3] =	ssyncadd.s32 $0xFFFFF9C0  }
0xec: {  	_ =	sfence.sel $0x180000  }
0xed: {  	[bflag:$0x0] =	sbarrier.arrive $0xFFFF  }
0xee: {  	_ =	strace $0x90000047  }
0xef: {  	s31 =	stileid.u32;
	[bflag:$0x2] =	sbarrier.arrive $0xFFFF  }
0xf0: {  	p0 =	sne.s32 s31, $0x0;
	s0 =	rddreg [dreg:$0x2]  }
0xf1: {  	s0 =	sadd.s32 @!p0 $0x100000, s0  }
0xf2: {  	[sflag:s0] =	ssyncadd.tile.s32 @!p0 $0x1;
	_ =	shalt  }
.Lfunc_end2:
_tile_overlayer_lowered:
.L_overlay_start_2:
0xf3: {  	(tag) =	ssettag $0x2  }
0xf4: {  	s0 =	rddreg [dreg:$0x0];
	s2 =	stileid.u32  }
0xf5: {  	s1 =	rddreg [dreg:$0x1];
	p0 =	sne.s32 s2, $0x0  }
0xf6: {  	s3 =	rddreg [dreg:$0x2];
	[bflag:$0x3] =	sbarrier.arrive $0xFFFF;
	s2 =	simm.s32 @!p0 $0x1C02  }
0xf7: {  	[timem:s3], [sflag:s2] =	dma.local @!p0 [hbm:s0], s1  }
0xf8: {  	s0 =	simm.s32 @!p0 $0x2  }
0xf9: {  	_ =	swait.ge @!p0 [sflag:s0], s1  }
0xfa: {  	s1 =	ssub.s32 @!p0 $0x0, s1;
	[sflag:s0] =	ssyncset.done @!p0 $0x0  }
0xfb: {  	[sflag:s0] =	ssyncadd.s32 @!p0 s1  }
0xfc: {  	[bflag:$0x3] =	sbarrier.arrive $0xFFFF  }
0xfd: {  	_ =	shalt  }

</sc_bundles>
